<compile_context>
chip_gen: v7x
topology: tpu7x:2x2x1
jax: 0.10.2.dev20260603
libtpu: 0.0.44.dev20260713+nightly
codegen_flags: <defaults>
</compile_context>

<pallas_src>
import functools

import jax
import jax.numpy as jnp
from jax import lax
from jax.experimental import pallas as pl
from jax.experimental.pallas import tpu as pltpu
from jax.experimental.pallas import tpu_sc as plsc

_B, _S, _D = 4, 2048, 128
_N = _B * _S
_NW = 32
_ROWS = _N // _NW
_NB = _D // 16
_NCH = 2
_CH = _ROWS // _NCH


def _embed_sum(tok_idx2, seg_f32, token_table, seg_table, pe2d):
    mesh = plsc.VectorSubcoreMesh(core_axis_name="c", subcore_axis_name="s")

    @functools.partial(
        pl.kernel,
        out_type=jax.ShapeDtypeStruct((_N, _D), jnp.float32),
        mesh=mesh,
        scratch_types=[
            pltpu.VMEM((_NCH, _CH), jnp.int32),
            pltpu.VMEM((_ROWS,), jnp.float32),
            pltpu.VMEM((_ROWS, _D), jnp.float32),
            pltpu.VMEM((2, _D), jnp.float32),
            pltpu.VMEM((_ROWS, _D), jnp.float32),
            [pltpu.SemaphoreType.DMA] * _NCH,
            [pltpu.SemaphoreType.DMA] * _NCH,
            pltpu.SemaphoreType.DMA,
            pltpu.SemaphoreType.DMA,
            pltpu.SemaphoreType.DMA,
        ],
    )
    def k(tok_hbm, seg_hbm, table_hbm, segtab_hbm, pe_hbm, out_hbm,
          tok_v, seg_v, pe_v, st_v, acc_v, gsems, wsems, psem, ssem, lsem):
        wid = lax.axis_index("s") * 2 + lax.axis_index("c")
        base = wid * _ROWS
        pbase = lax.rem(base, _S)
        c_pe = pltpu.async_copy(pe_hbm.at[pl.ds(pbase, _ROWS)], pe_v, psem)
        c_st = pltpu.async_copy(segtab_hbm, st_v, ssem)
        c_lb = pltpu.async_copy(seg_hbm.at[wid], seg_v, lsem)
        pltpu.sync_copy(tok_hbm.at[wid], tok_v)
        gathers = [
            pltpu.async_copy(table_hbm.at[tok_v.at[j]],
                             acc_v.at[pl.ds(j * _CH, _CH)], gsems[j])
            for j in range(_NCH)
        ]
        c_st.wait()
        c_lb.wait()
        c_pe.wait()
        st0 = [st_v[0, pl.ds(16 * j, 16)] for j in range(_NB)]
        dif = [st_v[1, pl.ds(16 * j, 16)] - st0[j] for j in range(_NB)]

        writes = []
        for ch in range(_NCH):
            gathers[ch].wait()

            @plsc.parallel_loop(ch * _CH, (ch + 1) * _CH, 1, unroll=8)
            def _merge(i):
                lbl16 = seg_v[pl.ds(16 * lax.div(i, 16), 16)]
                lbl = jnp.take_along_axis(
                    lbl16, jnp.full((16,), lax.rem(i, 16), jnp.int32),
                    axis=0, mode="promise_in_bounds")
                for j in range(_NB):
                    sl = (i, pl.ds(16 * j, 16))
                    acc_v[sl] = acc_v[sl] + pe_v[sl] + (st0[j] + lbl * dif[j])

            writes.append(pltpu.async_copy(
                acc_v.at[pl.ds(ch * _CH, _CH)],
                out_hbm.at[pl.ds(base + ch * _CH, _CH)], wsems[ch]))
        for w in writes:
            w.wait()

    return k(tok_idx2, seg_f32, token_table, seg_table, pe2d)


def kernel(tok_idx, segment_label, token_table, seg_table, pe):
    tok_idx2 = tok_idx.reshape(_NW, _NCH, _CH).astype(jnp.int32)
    seg_f32 = segment_label.reshape(_NW, _ROWS).astype(jnp.float32)
    pe2d = pe.reshape(_S, _D)
    out = _embed_sum(tok_idx2, seg_f32, token_table, seg_table, pe2d)
    return out.reshape(_B, _S, _D)

# --- scband reference (transcript-rebuilt; emitter-appended) ---
"""Pipeline reference for scband-bert-input-embedding-57999238365358 (READ-ONLY COPY).

The authoritative reference and input builder live on the scoring server;
editing this copy changes nothing except your own understanding.
"""

import jax, jax.numpy as jnp
import numpy as np
import math

VOCAB = 100000
D_MODEL = 128
CONTEXT_LEN = 2048
NUM_SEG = 2
B, S = 4, 2048


def _make_sinusoidal_pe(context_len, d_model):
    pe = np.zeros((context_len, d_model), dtype=np.float32)
    position = np.arange(0, context_len, dtype=np.float32)[:, None]
    div_term = np.exp(np.arange(0, d_model, 2, dtype=np.float32) * -(math.log(10000.0) / d_model))
    pe[:, 0::2] = np.sin(position * div_term)
    pe[:, 1::2] = np.cos(position * div_term)
    return jnp.asarray(pe)[None, :, :]  # [1, context_len, d_model]


def setup_inputs(seed: int = 0) -> dict:
    key = jax.random.key(seed)
    k1, k2, k3, k4 = jax.random.split(key, 4)
    tok_idx = jax.random.randint(k1, (B, S), 0, VOCAB, dtype=jnp.int64) if jax.config.jax_enable_x64 else jax.random.randint(k1, (B, S), 0, VOCAB, dtype=jnp.int32)
    segment_label = jax.random.randint(k2, (B, S), 0, NUM_SEG, dtype=jnp.int32)
    token_table = jax.random.normal(k3, (VOCAB, D_MODEL), dtype=jnp.float32)
    seg_table = jax.random.normal(k4, (NUM_SEG, D_MODEL), dtype=jnp.float32)
    pe = _make_sinusoidal_pe(CONTEXT_LEN, D_MODEL)
    return {"tok_idx": tok_idx, "segment_label": segment_label, "token_table": token_table, "seg_table": seg_table, "pe": pe}


def reference(tok_idx, segment_label, token_table, seg_table, pe):
    # token embedding gather
    tok_embeds = jnp.take(token_table, tok_idx, axis=0)  # [B, S, D]
    # sinusoidal positional embedding: pe[:, :seq_len]
    seq_len = tok_idx.shape[1]
    pos_embeds = pe[:, :seq_len]  # [1, S, D]
    # segment embedding gather
    seg_embeds = jnp.take(seg_table, segment_label, axis=0)  # [B, S, D]
    input_embeds = tok_embeds + pos_embeds + seg_embeds
    # dropout is identity in eval/deterministic mode
    return input_embeds

if __name__ == "__main__":
    import jax
    _d = setup_inputs()
    print(jax.jit(kernel)(*tuple(_d.values())))

</pallas_src>

<mosaic_0001>
#map = affine_map<(d0, d1) -> (0, 0, 0)>
#map1 = affine_map<(d0, d1) -> (0, 0)>
module attributes {stable_mosaic.version = 14 : i64} {
  func.func @k(%arg0: i32, %arg1: i32, %arg2: memref<32x2x128xi32, #tpu.memory_space<hbm>>, %arg3: memref<32x256xf32, #tpu.memory_space<hbm>>, %arg4: memref<100000x128xf32, #tpu.memory_space<hbm>>, %arg5: memref<2x128xf32, #tpu.memory_space<hbm>>, %arg6: memref<2048x128xf32, #tpu.memory_space<hbm>>, %arg7: memref<8192x128xf32, #tpu.memory_space<hbm>>, %arg8: memref<2x128xi32, #tpu.memory_space<vmem>>, %arg9: memref<256xf32, #tpu.memory_space<vmem>>, %arg10: memref<256x128xf32, #tpu.memory_space<vmem>>, %arg11: memref<2x128xf32, #tpu.memory_space<vmem>>, %arg12: memref<256x128xf32, #tpu.memory_space<vmem>>, %arg13: memref<!tpu.dma_semaphore, #tpu.memory_space<semaphore_mem>>, %arg14: memref<!tpu.dma_semaphore, #tpu.memory_space<semaphore_mem>>, %arg15: memref<!tpu.dma_semaphore, #tpu.memory_space<semaphore_mem>>, %arg16: memref<!tpu.dma_semaphore, #tpu.memory_space<semaphore_mem>>, %arg17: memref<!tpu.dma_semaphore, #tpu.memory_space<semaphore_mem>>, %arg18: memref<!tpu.dma_semaphore, #tpu.memory_space<semaphore_mem>>, %arg19: memref<!tpu.dma_semaphore, #tpu.memory_space<semaphore_mem>>) attributes {dimension_semantics = [#tpu.dimension_semantics<core_parallel>, #tpu.dimension_semantics<subcore_parallel>], iteration_bounds = array<i64: 2, 16>, scalar_prefetch = 0 : i64, scratch_operands = 12 : i64, tpu.core_type = #tpu.core_type<sc_vector_subcore>, window_params = [{transform_indices = #map}, {transform_indices = #map1}, {transform_indices = #map1}, {transform_indices = #map1}, {transform_indices = #map1}, {transform_indices = #map1}]} {
    %mul3A = arith.constant 2 : i32
    %mul3A_0 = arith.muli %arg1, %mul3A : i32
    %add3A = arith.addi %mul3A_0, %arg0 : i32
    %mul3A_1 = arith.constant 256 : i32
    %mul3A_2 = arith.muli %add3A, %mul3A_1 : i32
    %rem3A = arith.constant 2048 : i32
    %rem3A_3 = arith.remsi %mul3A_2, %rem3A : i32
    %dma_start3A = arith.constant 0 : i32
    %dma_start3A_4 = tpu.memref_slice %arg6[%rem3A_3, %dma_start3A] : memref<2048x128xf32, #tpu.memory_space<hbm>> -> memref<256x128xf32, #tpu.memory_space<hbm>>
    %dma_start3A_5 = arith.constant 0 : i32
    %dma_start3A_6 = tpu.memref_slice %arg6[%rem3A_3, %dma_start3A_5] : memref<2048x128xf32, #tpu.memory_space<hbm>> -> memref<256x128xf32, #tpu.memory_space<hbm>>
    tpu.enqueue_dma source(%dma_start3A_6 : memref<256x128xf32, #tpu.memory_space<hbm>>) target(%arg10 : memref<256x128xf32, #tpu.memory_space<vmem>>) target_semaphore(%arg17 : memref<!tpu.dma_semaphore, #tpu.memory_space<semaphore_mem>>)
    tpu.enqueue_dma source(%arg5 : memref<2x128xf32, #tpu.memory_space<hbm>>) target(%arg11 : memref<2x128xf32, #tpu.memory_space<vmem>>) target_semaphore(%arg18 : memref<!tpu.dma_semaphore, #tpu.memory_space<semaphore_mem>>)
    %dma_start3A_7 = arith.constant 0 : i32
    %dma_start3A_8 = tpu.memref_slice %arg3[%add3A, %dma_start3A_7] : memref<32x256xf32, #tpu.memory_space<hbm>> -> memref<1x256xf32, #tpu.memory_space<hbm>>
    %dma_start3A_9 = tpu.memref_squeeze %dma_start3A_8 : memref<1x256xf32, #tpu.memory_space<hbm>> -> memref<256xf32, #tpu.memory_space<hbm>>
    %dma_start3A_10 = arith.constant 0 : i32
    %dma_start3A_11 = tpu.memref_slice %arg3[%add3A, %dma_start3A_10] : memref<32x256xf32, #tpu.memory_space<hbm>> -> memref<1x256xf32, #tpu.memory_space<hbm>>
    %dma_start3A_12 = tpu.memref_squeeze %dma_start3A_11 : memref<1x256xf32, #tpu.memory_space<hbm>> -> memref<256xf32, #tpu.memory_space<hbm>>
    tpu.enqueue_dma source(%dma_start3A_12 : memref<256xf32, #tpu.memory_space<hbm>>) target(%arg9 : memref<256xf32, #tpu.memory_space<vmem>>) target_semaphore(%arg19 : memref<!tpu.dma_semaphore, #tpu.memory_space<semaphore_mem>>)
    "tpu.region"() ({
      %run_scoped3A = tpu.sem_alloc : memref<!tpu.dma_semaphore, #tpu.memory_space<semaphore_mem>>
      %dma_start3A_197 = arith.constant 0 : i32
      %dma_start3A_198 = arith.constant 0 : i32
      %dma_start3A_199 = tpu.memref_slice %arg2[%add3A, %dma_start3A_197, %dma_start3A_198] : memref<32x2x128xi32, #tpu.memory_space<hbm>> -> memref<1x2x128xi32, #tpu.memory_space<hbm>>
      %dma_start3A_200 = tpu.memref_squeeze %dma_start3A_199 : memref<1x2x128xi32, #tpu.memory_space<hbm>> -> memref<2x128xi32, #tpu.memory_space<hbm>>
      %dma_start3A_201 = arith.constant 0 : i32
      %dma_start3A_202 = arith.constant 0 : i32
      %dma_start3A_203 = tpu.memref_slice %arg2[%add3A, %dma_start3A_201, %dma_start3A_202] : memref<32x2x128xi32, #tpu.memory_space<hbm>> -> memref<1x2x128xi32, #tpu.memory_space<hbm>>
      %dma_start3A_204 = tpu.memref_squeeze %dma_start3A_203 : memref<1x2x128xi32, #tpu.memory_space<hbm>> -> memref<2x128xi32, #tpu.memory_space<hbm>>
      tpu.enqueue_dma source(%dma_start3A_204 : memref<2x128xi32, #tpu.memory_space<hbm>>) target(%arg8 : memref<2x128xi32, #tpu.memory_space<vmem>>) target_semaphore(%run_scoped3A : memref<!tpu.dma_semaphore, #tpu.memory_space<semaphore_mem>>)
      %dma_wait3A_205 = arith.constant 0 : i32
      %dma_wait3A_206 = arith.constant 0 : i32
      %dma_wait3A_207 = tpu.memref_slice %arg2[%add3A, %dma_wait3A_205, %dma_wait3A_206] : memref<32x2x128xi32, #tpu.memory_space<hbm>> -> memref<1x2x128xi32, #tpu.memory_space<hbm>>
      %dma_wait3A_208 = tpu.memref_squeeze %dma_wait3A_207 : memref<1x2x128xi32, #tpu.memory_space<hbm>> -> memref<2x128xi32, #tpu.memory_space<hbm>>
      %dma_wait3A_209 = arith.constant 0 : i32
      %dma_wait3A_210 = arith.constant 0 : i32
      %dma_wait3A_211 = tpu.memref_slice %arg2[%add3A, %dma_wait3A_209, %dma_wait3A_210] : memref<32x2x128xi32, #tpu.memory_space<hbm>> -> memref<1x2x128xi32, #tpu.memory_space<hbm>>
      %dma_wait3A_212 = tpu.memref_squeeze %dma_wait3A_211 : memref<1x2x128xi32, #tpu.memory_space<hbm>> -> memref<2x128xi32, #tpu.memory_space<hbm>>
      tpu.wait_dma2 semaphore(%run_scoped3A : memref<!tpu.dma_semaphore, #tpu.memory_space<semaphore_mem>>) src(%dma_wait3A_212 : memref<2x128xi32, #tpu.memory_space<hbm>>) dst(%arg8 : memref<2x128xi32, #tpu.memory_space<vmem>>)
      tpu.yield
    }) : () -> ()
    %dma_start3A_13 = arith.constant 0 : i32
    %dma_start3A_14 = arith.constant 0 : i32
    %dma_start3A_15 = arith.constant 0 : i32
    %dma_start3A_16 = tpu.memref_slice %arg12[%dma_start3A_14, %dma_start3A_15] : memref<256x128xf32, #tpu.memory_space<vmem>> -> memref<128x128xf32, #tpu.memory_space<vmem>>
    %dma_start3A_17 = arith.constant 0 : i32
    %dma_start3A_18 = tpu.memref_slice %arg8[%dma_start3A_13, %dma_start3A_17] : memref<2x128xi32, #tpu.memory_space<vmem>> -> memref<1x128xi32, #tpu.memory_space<vmem>>
    %dma_start3A_19 = tpu.memref_squeeze %dma_start3A_18 : memref<1x128xi32, #tpu.memory_space<vmem>> -> memref<128xi32, #tpu.memory_space<vmem>>
    %dma_start3A_20 = arith.constant 0 : i32
    %dma_start3A_21 = arith.constant 0 : i32
    %dma_start3A_22 = tpu.memref_slice %arg4[%dma_start3A_20, %dma_start3A_21] : memref<100000x128xf32, #tpu.memory_space<hbm>> -> memref<100000x128xf32, #tpu.memory_space<hbm>>
    tpu.enqueue_indirect_dma source(%dma_start3A_22 : memref<100000x128xf32, #tpu.memory_space<hbm>>) target(%dma_start3A_16 : memref<128x128xf32, #tpu.memory_space<vmem>>) offsets(%dma_start3A_19 : memref<128xi32, #tpu.memory_space<vmem>>) semaphore(%arg13 : memref<!tpu.dma_semaphore, #tpu.memory_space<semaphore_mem>>)
    %dma_start3A_23 = arith.constant 1 : i32
    %dma_start3A_24 = arith.constant 128 : i32
    %dma_start3A_25 = arith.constant 0 : i32
    %dma_start3A_26 = tpu.memref_slice %arg12[%dma_start3A_24, %dma_start3A_25] : memref<256x128xf32, #tpu.memory_space<vmem>> -> memref<128x128xf32, #tpu.memory_space<vmem>>
    %dma_start3A_27 = arith.constant 0 : i32
    %dma_start3A_28 = tpu.memref_slice %arg8[%dma_start3A_23, %dma_start3A_27] : memref<2x128xi32, #tpu.memory_space<vmem>> -> memref<1x128xi32, #tpu.memory_space<vmem>>
    %dma_start3A_29 = tpu.memref_squeeze %dma_start3A_28 : memref<1x128xi32, #tpu.memory_space<vmem>> -> memref<128xi32, #tpu.memory_space<vmem>>
    %dma_start3A_30 = arith.constant 0 : i32
    %dma_start3A_31 = arith.constant 0 : i32
    %dma_start3A_32 = tpu.memref_slice %arg4[%dma_start3A_30, %dma_start3A_31] : memref<100000x128xf32, #tpu.memory_space<hbm>> -> memref<100000x128xf32, #tpu.memory_space<hbm>>
    tpu.enqueue_indirect_dma source(%dma_start3A_32 : memref<100000x128xf32, #tpu.memory_space<hbm>>) target(%dma_start3A_26 : memref<128x128xf32, #tpu.memory_space<vmem>>) offsets(%dma_start3A_29 : memref<128xi32, #tpu.memory_space<vmem>>) semaphore(%arg14 : memref<!tpu.dma_semaphore, #tpu.memory_space<semaphore_mem>>)
    tpu.wait_dma2 semaphore(%arg18 : memref<!tpu.dma_semaphore, #tpu.memory_space<semaphore_mem>>) src(%arg5 : memref<2x128xf32, #tpu.memory_space<hbm>>) dst(%arg11 : memref<2x128xf32, #tpu.memory_space<vmem>>)
    %dma_wait3A = arith.constant 0 : i32
    %dma_wait3A_33 = tpu.memref_slice %arg3[%add3A, %dma_wait3A] : memref<32x256xf32, #tpu.memory_space<hbm>> -> memref<1x256xf32, #tpu.memory_space<hbm>>
    %dma_wait3A_34 = tpu.memref_squeeze %dma_wait3A_33 : memref<1x256xf32, #tpu.memory_space<hbm>> -> memref<256xf32, #tpu.memory_space<hbm>>
    %dma_wait3A_35 = arith.constant 0 : i32
    %dma_wait3A_36 = tpu.memref_slice %arg3[%add3A, %dma_wait3A_35] : memref<32x256xf32, #tpu.memory_space<hbm>> -> memref<1x256xf32, #tpu.memory_space<hbm>>
    %dma_wait3A_37 = tpu.memref_squeeze %dma_wait3A_36 : memref<1x256xf32, #tpu.memory_space<hbm>> -> memref<256xf32, #tpu.memory_space<hbm>>
    tpu.wait_dma2 semaphore(%arg19 : memref<!tpu.dma_semaphore, #tpu.memory_space<semaphore_mem>>) src(%dma_wait3A_37 : memref<256xf32, #tpu.memory_space<hbm>>) dst(%arg9 : memref<256xf32, #tpu.memory_space<vmem>>)
    %dma_wait3A_38 = arith.constant 0 : i32
    %dma_wait3A_39 = tpu.memref_slice %arg6[%rem3A_3, %dma_wait3A_38] : memref<2048x128xf32, #tpu.memory_space<hbm>> -> memref<256x128xf32, #tpu.memory_space<hbm>>
    %dma_wait3A_40 = arith.constant 0 : i32
    %dma_wait3A_41 = tpu.memref_slice %arg6[%rem3A_3, %dma_wait3A_40] : memref<2048x128xf32, #tpu.memory_space<hbm>> -> memref<256x128xf32, #tpu.memory_space<hbm>>
    tpu.wait_dma2 semaphore(%arg17 : memref<!tpu.dma_semaphore, #tpu.memory_space<semaphore_mem>>) src(%dma_wait3A_41 : memref<256x128xf32, #tpu.memory_space<hbm>>) dst(%arg10 : memref<256x128xf32, #tpu.memory_space<vmem>>)
    %get3A = arith.constant 0 : i32
    %get3A_42 = arith.index_cast %get3A : i32 to index
    %get3A_43 = arith.constant 0 : index
    %get3A_44 = tpu.vector_load %arg11[%get3A_42, %get3A_43] {strides = array<i32>} : memref<2x128xf32, #tpu.memory_space<vmem>>, vector<1x16xf32>,
    %get3A_45 = vector.shape_cast %get3A_44 : vector<1x16xf32> to vector<16xf32>
    %get3A_46 = arith.constant 0 : i32
    %get3A_47 = arith.index_cast %get3A_46 : i32 to index
    %get3A_48 = arith.constant 16 : index
    %get3A_49 = tpu.vector_load %arg11[%get3A_47, %get3A_48] {strides = array<i32>} : memref<2x128xf32, #tpu.memory_space<vmem>>, vector<1x16xf32>,
    %get3A_50 = vector.shape_cast %get3A_49 : vector<1x16xf32> to vector<16xf32>
    %get3A_51 = arith.constant 0 : i32
    %get3A_52 = arith.index_cast %get3A_51 : i32 to index
    %get3A_53 = arith.constant 32 : index
    %get3A_54 = tpu.vector_load %arg11[%get3A_52, %get3A_53] {strides = array<i32>} : memref<2x128xf32, #tpu.memory_space<vmem>>, vector<1x16xf32>,
    %get3A_55 = vector.shape_cast %get3A_54 : vector<1x16xf32> to vector<16xf32>
    %get3A_56 = arith.constant 0 : i32
    %get3A_57 = arith.index_cast %get3A_56 : i32 to index
    %get3A_58 = arith.constant 48 : index
    %get3A_59 = tpu.vector_load %arg11[%get3A_57, %get3A_58] {strides = array<i32>} : memref<2x128xf32, #tpu.memory_space<vmem>>, vector<1x16xf32>,
    %get3A_60 = vector.shape_cast %get3A_59 : vector<1x16xf32> to vector<16xf32>
    %get3A_61 = arith.constant 0 : i32
    %get3A_62 = arith.index_cast %get3A_61 : i32 to index
    %get3A_63 = arith.constant 64 : index
    %get3A_64 = tpu.vector_load %arg11[%get3A_62, %get3A_63] {strides = array<i32>} : memref<2x128xf32, #tpu.memory_space<vmem>>, vector<1x16xf32>,
    %get3A_65 = vector.shape_cast %get3A_64 : vector<1x16xf32> to vector<16xf32>
    %get3A_66 = arith.constant 0 : i32
    %get3A_67 = arith.index_cast %get3A_66 : i32 to index
    %get3A_68 = arith.constant 80 : index
    %get3A_69 = tpu.vector_load %arg11[%get3A_67, %get3A_68] {strides = array<i32>} : memref<2x128xf32, #tpu.memory_space<vmem>>, vector<1x16xf32>,
    %get3A_70 = vector.shape_cast %get3A_69 : vector<1x16xf32> to vector<16xf32>
    %get3A_71 = arith.constant 0 : i32
    %get3A_72 = arith.index_cast %get3A_71 : i32 to index
    %get3A_73 = arith.constant 96 : index
    %get3A_74 = tpu.vector_load %arg11[%get3A_72, %get3A_73] {strides = array<i32>} : memref<2x128xf32, #tpu.memory_space<vmem>>, vector<1x16xf32>,
    %get3A_75 = vector.shape_cast %get3A_74 : vector<1x16xf32> to vector<16xf32>
    %get3A_76 = arith.constant 0 : i32
    %get3A_77 = arith.index_cast %get3A_76 : i32 to index
    %get3A_78 = arith.constant 112 : index
    %get3A_79 = tpu.vector_load %arg11[%get3A_77, %get3A_78] {strides = array<i32>} : memref<2x128xf32, #tpu.memory_space<vmem>>, vector<1x16xf32>,
    %get3A_80 = vector.shape_cast %get3A_79 : vector<1x16xf32> to vector<16xf32>
    %get3A_81 = arith.constant 1 : i32
    %get3A_82 = arith.index_cast %get3A_81 : i32 to index
    %get3A_83 = arith.constant 0 : index
    %get3A_84 = tpu.vector_load %arg11[%get3A_82, %get3A_83] {strides = array<i32>} : memref<2x128xf32, #tpu.memory_space<vmem>>, vector<1x16xf32>,
    %get3A_85 = vector.shape_cast %get3A_84 : vector<1x16xf32> to vector<16xf32>
    %sub3A = arith.subf %get3A_85, %get3A_45 : vector<16xf32>
    %get3A_86 = arith.constant 1 : i32
    %get3A_87 = arith.index_cast %get3A_86 : i32 to index
    %get3A_88 = arith.constant 16 : index
    %get3A_89 = tpu.vector_load %arg11[%get3A_87, %get3A_88] {strides = array<i32>} : memref<2x128xf32, #tpu.memory_space<vmem>>, vector<1x16xf32>,
    %get3A_90 = vector.shape_cast %get3A_89 : vector<1x16xf32> to vector<16xf32>
    %sub3A_91 = arith.subf %get3A_90, %get3A_50 : vector<16xf32>
    %get3A_92 = arith.constant 1 : i32
    %get3A_93 = arith.index_cast %get3A_92 : i32 to index
    %get3A_94 = arith.constant 32 : index
    %get3A_95 = tpu.vector_load %arg11[%get3A_93, %get3A_94] {strides = array<i32>} : memref<2x128xf32, #tpu.memory_space<vmem>>, vector<1x16xf32>,
    %get3A_96 = vector.shape_cast %get3A_95 : vector<1x16xf32> to vector<16xf32>
    %sub3A_97 = arith.subf %get3A_96, %get3A_55 : vector<16xf32>
    %get3A_98 = arith.constant 1 : i32
    %get3A_99 = arith.index_cast %get3A_98 : i32 to index
    %get3A_100 = arith.constant 48 : index
    %get3A_101 = tpu.vector_load %arg11[%get3A_99, %get3A_100] {strides = array<i32>} : memref<2x128xf32, #tpu.memory_space<vmem>>, vector<1x16xf32>,
    %get3A_102 = vector.shape_cast %get3A_101 : vector<1x16xf32> to vector<16xf32>
    %sub3A_103 = arith.subf %get3A_102, %get3A_60 : vector<16xf32>
    %get3A_104 = arith.constant 1 : i32
    %get3A_105 = arith.index_cast %get3A_104 : i32 to index
    %get3A_106 = arith.constant 64 : index
    %get3A_107 = tpu.vector_load %arg11[%get3A_105, %get3A_106] {strides = array<i32>} : memref<2x128xf32, #tpu.memory_space<vmem>>, vector<1x16xf32>,
    %get3A_108 = vector.shape_cast %get3A_107 : vector<1x16xf32> to vector<16xf32>
    %sub3A_109 = arith.subf %get3A_108, %get3A_65 : vector<16xf32>
    %get3A_110 = arith.constant 1 : i32
    %get3A_111 = arith.index_cast %get3A_110 : i32 to index
    %get3A_112 = arith.constant 80 : index
    %get3A_113 = tpu.vector_load %arg11[%get3A_111, %get3A_112] {strides = array<i32>} : memref<2x128xf32, #tpu.memory_space<vmem>>, vector<1x16xf32>,
    %get3A_114 = vector.shape_cast %get3A_113 : vector<1x16xf32> to vector<16xf32>
    %sub3A_115 = arith.subf %get3A_114, %get3A_70 : vector<16xf32>
    %get3A_116 = arith.constant 1 : i32
    %get3A_117 = arith.index_cast %get3A_116 : i32 to index
    %get3A_118 = arith.constant 96 : index
    %get3A_119 = tpu.vector_load %arg11[%get3A_117, %get3A_118] {strides = array<i32>} : memref<2x128xf32, #tpu.memory_space<vmem>>, vector<1x16xf32>,
    %get3A_120 = vector.shape_cast %get3A_119 : vector<1x16xf32> to vector<16xf32>
    %sub3A_121 = arith.subf %get3A_120, %get3A_75 : vector<16xf32>
    %get3A_122 = arith.constant 1 : i32
    %get3A_123 = arith.index_cast %get3A_122 : i32 to index
    %get3A_124 = arith.constant 112 : index
    %get3A_125 = tpu.vector_load %arg11[%get3A_123, %get3A_124] {strides = array<i32>} : memref<2x128xf32, #tpu.memory_space<vmem>>, vector<1x16xf32>,
    %get3A_126 = vector.shape_cast %get3A_125 : vector<1x16xf32> to vector<16xf32>
    %sub3A_127 = arith.subf %get3A_126, %get3A_80 : vector<16xf32>
    %dma_wait3A_128 = arith.constant 0 : i32
    %dma_wait3A_129 = arith.constant 0 : i32
    %dma_wait3A_130 = arith.constant 0 : i32
    %dma_wait3A_131 = tpu.memref_slice %arg12[%dma_wait3A_129, %dma_wait3A_130] : memref<256x128xf32, #tpu.memory_space<vmem>> -> memref<128x128xf32, #tpu.memory_space<vmem>>
    %dma_wait3A_132 = arith.constant 0 : i32
    %dma_wait3A_133 = tpu.memref_slice %arg8[%dma_wait3A_128, %dma_wait3A_132] : memref<2x128xi32, #tpu.memory_space<vmem>> -> memref<1x128xi32, #tpu.memory_space<vmem>>
    %dma_wait3A_134 = tpu.memref_squeeze %dma_wait3A_133 : memref<1x128xi32, #tpu.memory_space<vmem>> -> memref<128xi32, #tpu.memory_space<vmem>>
    %dma_wait3A_135 = arith.constant 0 : i32
    %dma_wait3A_136 = arith.constant 0 : i32
    %dma_wait3A_137 = tpu.memref_slice %arg4[%dma_wait3A_135, %dma_wait3A_136] : memref<100000x128xf32, #tpu.memory_space<hbm>> -> memref<100000x128xf32, #tpu.memory_space<hbm>>
    tpu.wait_indirect_dma semaphore(%arg13 : memref<!tpu.dma_semaphore, #tpu.memory_space<semaphore_mem>>) src(%dma_wait3A_137 : memref<100000x128xf32, #tpu.memory_space<hbm>>) dst(%dma_wait3A_131 : memref<128x128xf32, #tpu.memory_space<vmem>>)
    %parallel_loop3A = arith.constant 0 : i32
    %parallel_loop3A_138 = arith.constant 128 : i32
    %parallel_loop3A_139 = arith.constant 1 : i32
    scf.for %parallel_loop3A_197 = %parallel_loop3A to %parallel_loop3A_138 step %parallel_loop3A_139  : i32 {
      %parallel_loop3A_198 = arith.constant 16 : i32
      %parallel_loop3A_199 = arith.divsi %parallel_loop3A_197, %parallel_loop3A_198 : i32
      %parallel_loop3A_200 = arith.constant 16 : i32
      %parallel_loop3A_201 = arith.muli %parallel_loop3A_200, %parallel_loop3A_199 : i32
      %parallel_loop3A_202 = arith.index_cast %parallel_loop3A_201 : i32 to index
      %parallel_loop3A_203 = tpu.vector_load %arg9[%parallel_loop3A_202] {strides = array<i32>} : memref<256xf32, #tpu.memory_space<vmem>>, vector<16xf32>,
      %parallel_loop3A_204 = vector.shape_cast %parallel_loop3A_203 : vector<16xf32> to vector<16xf32>
      %parallel_loop3A_205 = arith.constant 16 : i32
      %parallel_loop3A_206 = arith.remsi %parallel_loop3A_197, %parallel_loop3A_205 : i32
      %parallel_loop3A_207 = vector.broadcast %parallel_loop3A_206 : i32 to vector<16xi32>
      %parallel_loop3A_208 = vector.shape_cast %parallel_loop3A_207 : vector<16xi32> to vector<16x1xi32>
      %parallel_loop3A_209 = vector.shape_cast %parallel_loop3A_208 : vector<16x1xi32> to vector<16xi32>
      %parallel_loop3A_210 = tpu.dynamic_gather %parallel_loop3A_204[%parallel_loop3A_209] in [0] : vector<16xf32>, vector<16xi32> -> vector<16xf32>
      %parallel_loop3A_211 = arith.index_cast %parallel_loop3A_197 : i32 to index
      %parallel_loop3A_212 = arith.constant 0 : index
      %parallel_loop3A_213 = tpu.vector_load %arg12[%parallel_loop3A_211, %parallel_loop3A_212] {strides = array<i32>} : memref<256x128xf32, #tpu.memory_space<vmem>>, vector<1x16xf32>,
      %parallel_loop3A_214 = vector.shape_cast %parallel_loop3A_213 : vector<1x16xf32> to vector<16xf32>
      %parallel_loop3A_215 = arith.index_cast %parallel_loop3A_197 : i32 to index
      %parallel_loop3A_216 = arith.constant 0 : index
      %parallel_loop3A_217 = tpu.vector_load %arg10[%parallel_loop3A_215, %parallel_loop3A_216] {strides = array<i32>} : memref<256x128xf32, #tpu.memory_space<vmem>>, vector<1x16xf32>,
      %parallel_loop3A_218 = vector.shape_cast %parallel_loop3A_217 : vector<1x16xf32> to vector<16xf32>
      %parallel_loop3A_219 = arith.addf %parallel_loop3A_214, %parallel_loop3A_218 : vector<16xf32>
      %parallel_loop3A_220 = arith.mulf %parallel_loop3A_210, %sub3A : vector<16xf32>
      %parallel_loop3A_221 = arith.addf %get3A_45, %parallel_loop3A_220 : vector<16xf32>
      %parallel_loop3A_222 = arith.addf %parallel_loop3A_219, %parallel_loop3A_221 : vector<16xf32>
      %parallel_loop3A_223 = arith.index_cast %parallel_loop3A_197 : i32 to index
      %parallel_loop3A_224 = arith.constant 0 : index
      %parallel_loop3A_225 = tpu.vector_load %arg12[%parallel_loop3A_223, %parallel_loop3A_224] {strides = array<i32>} : memref<256x128xf32, #tpu.memory_space<vmem>>, vector<1x16xf32>,
      %parallel_loop3A_226 = vector.shape_cast %parallel_loop3A_225 : vector<1x16xf32> to vector<16xf32>
      %parallel_loop3A_227 = vector.shape_cast %parallel_loop3A_222 : vector<16xf32> to vector<1x16xf32>
      tpu.vector_store %arg12[%parallel_loop3A_223, %parallel_loop3A_224], %parallel_loop3A_227 {strides = array<i32>} : memref<256x128xf32, #tpu.memory_space<vmem>>, vector<1x16xf32>,
      %parallel_loop3A_228 = arith.index_cast %parallel_loop3A_197 : i32 to index
      %parallel_loop3A_229 = arith.constant 16 : index
      %parallel_loop3A_230 = tpu.vector_load %arg12[%parallel_loop3A_228, %parallel_loop3A_229] {strides = array<i32>} : memref<256x128xf32, #tpu.memory_space<vmem>>, vector<1x16xf32>,
      %parallel_loop3A_231 = vector.shape_cast %parallel_loop3A_230 : vector<1x16xf32> to vector<16xf32>
      %parallel_loop3A_232 = arith.index_cast %parallel_loop3A_197 : i32 to index
      %parallel_loop3A_233 = arith.constant 16 : index
      %parallel_loop3A_234 = tpu.vector_load %arg10[%parallel_loop3A_232, %parallel_loop3A_233] {strides = array<i32>} : memref<256x128xf32, #tpu.memory_space<vmem>>, vector<1x16xf32>,
      %parallel_loop3A_235 = vector.shape_cast %parallel_loop3A_234 : vector<1x16xf32> to vector<16xf32>
      %parallel_loop3A_236 = arith.addf %parallel_loop3A_231, %parallel_loop3A_235 : vector<16xf32>
      %parallel_loop3A_237 = arith.mulf %parallel_loop3A_210, %sub3A_91 : vector<16xf32>
      %parallel_loop3A_238 = arith.addf %get3A_50, %parallel_loop3A_237 : vector<16xf32>
      %parallel_loop3A_239 = arith.addf %parallel_loop3A_236, %parallel_loop3A_238 : vector<16xf32>
      %parallel_loop3A_240 = arith.index_cast %parallel_loop3A_197 : i32 to index
      %parallel_loop3A_241 = arith.constant 16 : index
      %parallel_loop3A_242 = tpu.vector_load %arg12[%parallel_loop3A_240, %parallel_loop3A_241] {strides = array<i32>} : memref<256x128xf32, #tpu.memory_space<vmem>>, vector<1x16xf32>,
      %parallel_loop3A_243 = vector.shape_cast %parallel_loop3A_242 : vector<1x16xf32> to vector<16xf32>
      %parallel_loop3A_244 = vector.shape_cast %parallel_loop3A_239 : vector<16xf32> to vector<1x16xf32>
      tpu.vector_store %arg12[%parallel_loop3A_240, %parallel_loop3A_241], %parallel_loop3A_244 {strides = array<i32>} : memref<256x128xf32, #tpu.memory_space<vmem>>, vector<1x16xf32>,
      %parallel_loop3A_245 = arith.index_cast %parallel_loop3A_197 : i32 to index
      %parallel_loop3A_246 = arith.constant 32 : index
      %parallel_loop3A_247 = tpu.vector_load %arg12[%parallel_loop3A_245, %parallel_loop3A_246] {strides = array<i32>} : memref<256x128xf32, #tpu.memory_space<vmem>>, vector<1x16xf32>,
      %parallel_loop3A_248 = vector.shape_cast %parallel_loop3A_247 : vector<1x16xf32> to vector<16xf32>
      %parallel_loop3A_249 = arith.index_cast %parallel_loop3A_197 : i32 to index
      %parallel_loop3A_250 = arith.constant 32 : index
      %parallel_loop3A_251 = tpu.vector_load %arg10[%parallel_loop3A_249, %parallel_loop3A_250] {strides = array<i32>} : memref<256x128xf32, #tpu.memory_space<vmem>>, vector<1x16xf32>,
      %parallel_loop3A_252 = vector.shape_cast %parallel_loop3A_251 : vector<1x16xf32> to vector<16xf32>
      %parallel_loop3A_253 = arith.addf %parallel_loop3A_248, %parallel_loop3A_252 : vector<16xf32>
      %parallel_loop3A_254 = arith.mulf %parallel_loop3A_210, %sub3A_97 : vector<16xf32>
      %parallel_loop3A_255 = arith.addf %get3A_55, %parallel_loop3A_254 : vector<16xf32>
      %parallel_loop3A_256 = arith.addf %parallel_loop3A_253, %parallel_loop3A_255 : vector<16xf32>
      %parallel_loop3A_257 = arith.index_cast %parallel_loop3A_197 : i32 to index
      %parallel_loop3A_258 = arith.constant 32 : index
      %parallel_loop3A_259 = tpu.vector_load %arg12[%parallel_loop3A_257, %parallel_loop3A_258] {strides = array<i32>} : memref<256x128xf32, #tpu.memory_space<vmem>>, vector<1x16xf32>,
      %parallel_loop3A_260 = vector.shape_cast %parallel_loop3A_259 : vector<1x16xf32> to vector<16xf32>
      %parallel_loop3A_261 = vector.shape_cast %parallel_loop3A_256 : vector<16xf32> to vector<1x16xf32>
      tpu.vector_store %arg12[%parallel_loop3A_257, %parallel_loop3A_258], %parallel_loop3A_261 {strides = array<i32>} : memref<256x128xf32, #tpu.memory_space<vmem>>, vector<1x16xf32>,
      %parallel_loop3A_262 = arith.index_cast %parallel_loop3A_197 : i32 to index
      %parallel_loop3A_263 = arith.constant 48 : index
      %parallel_loop3A_264 = tpu.vector_load %arg12[%parallel_loop3A_262, %parallel_loop3A_263] {strides = array<i32>} : memref<256x128xf32, #tpu.memory_space<vmem>>, vector<1x16xf32>,
      %parallel_loop3A_265 = vector.shape_cast %parallel_loop3A_264 : vector<1x16xf32> to vector<16xf32>
      %parallel_loop3A_266 = arith.index_cast %parallel_loop3A_197 : i32 to index
      %parallel_loop3A_267 = arith.constant 48 : index
      %parallel_loop3A_268 = tpu.vector_load %arg10[%parallel_loop3A_266, %parallel_loop3A_267] {strides = array<i32>} : memref<256x128xf32, #tpu.memory_space<vmem>>, vector<1x16xf32>,
      %parallel_loop3A_269 = vector.shape_cast %parallel_loop3A_268 : vector<1x16xf32> to vector<16xf32>
      %parallel_loop3A_270 = arith.addf %parallel_loop3A_265, %parallel_loop3A_269 : vector<16xf32>
      %parallel_loop3A_271 = arith.mulf %parallel_loop3A_210, %sub3A_103 : vector<16xf32>
      %parallel_loop3A_272 = arith.addf %get3A_60, %parallel_loop3A_271 : vector<16xf32>
      %parallel_loop3A_273 = arith.addf %parallel_loop3A_270, %parallel_loop3A_272 : vector<16xf32>
      %parallel_loop3A_274 = arith.index_cast %parallel_loop3A_197 : i32 to index
      %parallel_loop3A_275 = arith.constant 48 : index
      %parallel_loop3A_276 = tpu.vector_load %arg12[%parallel_loop3A_274, %parallel_loop3A_275] {strides = array<i32>} : memref<256x128xf32, #tpu.memory_space<vmem>>, vector<1x16xf32>,
      %parallel_loop3A_277 = vector.shape_cast %parallel_loop3A_276 : vector<1x16xf32> to vector<16xf32>
      %parallel_loop3A_278 = vector.shape_cast %parallel_loop3A_273 : vector<16xf32> to vector<1x16xf32>
      tpu.vector_store %arg12[%parallel_loop3A_274, %parallel_loop3A_275], %parallel_loop3A_278 {strides = array<i32>} : memref<256x128xf32, #tpu.memory_space<vmem>>, vector<1x16xf32>,
      %parallel_loop3A_279 = arith.index_cast %parallel_loop3A_197 : i32 to index
      %parallel_loop3A_280 = arith.constant 64 : index
      %parallel_loop3A_281 = tpu.vector_load %arg12[%parallel_loop3A_279, %parallel_loop3A_280] {strides = array<i32>} : memref<256x128xf32, #tpu.memory_space<vmem>>, vector<1x16xf32>,
      %parallel_loop3A_282 = vector.shape_cast %parallel_loop3A_281 : vector<1x16xf32> to vector<16xf32>
      %parallel_loop3A_283 = arith.index_cast %parallel_loop3A_197 : i32 to index
      %parallel_loop3A_284 = arith.constant 64 : index
      %parallel_loop3A_285 = tpu.vector_load %arg10[%parallel_loop3A_283, %parallel_loop3A_284] {strides = array<i32>} : memref<256x128xf32, #tpu.memory_space<vmem>>, vector<1x16xf32>,
      %parallel_loop3A_286 = vector.shape_cast %parallel_loop3A_285 : vector<1x16xf32> to vector<16xf32>
      %parallel_loop3A_287 = arith.addf %parallel_loop3A_282, %parallel_loop3A_286 : vector<16xf32>
      %parallel_loop3A_288 = arith.mulf %parallel_loop3A_210, %sub3A_109 : vector<16xf32>
      %parallel_loop3A_289 = arith.addf %get3A_65, %parallel_loop3A_288 : vector<16xf32>
      %parallel_loop3A_290 = arith.addf %parallel_loop3A_287, %parallel_loop3A_289 : vector<16xf32>
      %parallel_loop3A_291 = arith.index_cast %parallel_loop3A_197 : i32 to index
      %parallel_loop3A_292 = arith.constant 64 : index
      %parallel_loop3A_293 = tpu.vector_load %arg12[%parallel_loop3A_291, %parallel_loop3A_292] {strides = array<i32>} : memref<256x128xf32, #tpu.memory_space<vmem>>, vector<1x16xf32>,
      %parallel_loop3A_294 = vector.shape_cast %parallel_loop3A_293 : vector<1x16xf32> to vector<16xf32>
      %parallel_loop3A_295 = vector.shape_cast %parallel_loop3A_290 : vector<16xf32> to vector<1x16xf32>
      tpu.vector_store %arg12[%parallel_loop3A_291, %parallel_loop3A_292], %parallel_loop3A_295 {strides = array<i32>} : memref<256x128xf32, #tpu.memory_space<vmem>>, vector<1x16xf32>,
      %parallel_loop3A_296 = arith.index_cast %parallel_loop3A_197 : i32 to index
      %parallel_loop3A_297 = arith.constant 80 : index
      %parallel_loop3A_298 = tpu.vector_load %arg12[%parallel_loop3A_296, %parallel_loop3A_297] {strides = array<i32>} : memref<256x128xf32, #tpu.memory_space<vmem>>, vector<1x16xf32>,
      %parallel_loop3A_299 = vector.shape_cast %parallel_loop3A_298 : vector<1x16xf32> to vector<16xf32>
      %parallel_loop3A_300 = arith.index_cast %parallel_loop3A_197 : i32 to index
      %parallel_loop3A_301 = arith.constant 80 : index
      %parallel_loop3A_302 = tpu.vector_load %arg10[%parallel_loop3A_300, %parallel_loop3A_301] {strides = array<i32>} : memref<256x128xf32, #tpu.memory_space<vmem>>, vector<1x16xf32>,
      %parallel_loop3A_303 = vector.shape_cast %parallel_loop3A_302 : vector<1x16xf32> to vector<16xf32>
      %parallel_loop3A_304 = arith.addf %parallel_loop3A_299, %parallel_loop3A_303 : vector<16xf32>
      %parallel_loop3A_305 = arith.mulf %parallel_loop3A_210, %sub3A_115 : vector<16xf32>
      %parallel_loop3A_306 = arith.addf %get3A_70, %parallel_loop3A_305 : vector<16xf32>
      %parallel_loop3A_307 = arith.addf %parallel_loop3A_304, %parallel_loop3A_306 : vector<16xf32>
      %parallel_loop3A_308 = arith.index_cast %parallel_loop3A_197 : i32 to index
      %parallel_loop3A_309 = arith.constant 80 : index
      %parallel_loop3A_310 = tpu.vector_load %arg12[%parallel_loop3A_308, %parallel_loop3A_309] {strides = array<i32>} : memref<256x128xf32, #tpu.memory_space<vmem>>, vector<1x16xf32>,
      %parallel_loop3A_311 = vector.shape_cast %parallel_loop3A_310 : vector<1x16xf32> to vector<16xf32>
      %parallel_loop3A_312 = vector.shape_cast %parallel_loop3A_307 : vector<16xf32> to vector<1x16xf32>
      tpu.vector_store %arg12[%parallel_loop3A_308, %parallel_loop3A_309], %parallel_loop3A_312 {strides = array<i32>} : memref<256x128xf32, #tpu.memory_space<vmem>>, vector<1x16xf32>,
      %parallel_loop3A_313 = arith.index_cast %parallel_loop3A_197 : i32 to index
      %parallel_loop3A_314 = arith.constant 96 : index
      %parallel_loop3A_315 = tpu.vector_load %arg12[%parallel_loop3A_313, %parallel_loop3A_314] {strides = array<i32>} : memref<256x128xf32, #tpu.memory_space<vmem>>, vector<1x16xf32>,
      %parallel_loop3A_316 = vector.shape_cast %parallel_loop3A_315 : vector<1x16xf32> to vector<16xf32>
      %parallel_loop3A_317 = arith.index_cast %parallel_loop3A_197 : i32 to index
      %parallel_loop3A_318 = arith.constant 96 : index
      %parallel_loop3A_319 = tpu.vector_load %arg10[%parallel_loop3A_317, %parallel_loop3A_318] {strides = array<i32>} : memref<256x128xf32, #tpu.memory_space<vmem>>, vector<1x16xf32>,
      %parallel_loop3A_320 = vector.shape_cast %parallel_loop3A_319 : vector<1x16xf32> to vector<16xf32>
      %parallel_loop3A_321 = arith.addf %parallel_loop3A_316, %parallel_loop3A_320 : vector<16xf32>
      %parallel_loop3A_322 = arith.mulf %parallel_loop3A_210, %sub3A_121 : vector<16xf32>
      %parallel_loop3A_323 = arith.addf %get3A_75, %parallel_loop3A_322 : vector<16xf32>
      %parallel_loop3A_324 = arith.addf %parallel_loop3A_321, %parallel_loop3A_323 : vector<16xf32>
      %parallel_loop3A_325 = arith.index_cast %parallel_loop3A_197 : i32 to index
      %parallel_loop3A_326 = arith.constant 96 : index
      %parallel_loop3A_327 = tpu.vector_load %arg12[%parallel_loop3A_325, %parallel_loop3A_326] {strides = array<i32>} : memref<256x128xf32, #tpu.memory_space<vmem>>, vector<1x16xf32>,
      %parallel_loop3A_328 = vector.shape_cast %parallel_loop3A_327 : vector<1x16xf32> to vector<16xf32>
      %parallel_loop3A_329 = vector.shape_cast %parallel_loop3A_324 : vector<16xf32> to vector<1x16xf32>
      tpu.vector_store %arg12[%parallel_loop3A_325, %parallel_loop3A_326], %parallel_loop3A_329 {strides = array<i32>} : memref<256x128xf32, #tpu.memory_space<vmem>>, vector<1x16xf32>,
      %parallel_loop3A_330 = arith.index_cast %parallel_loop3A_197 : i32 to index
      %parallel_loop3A_331 = arith.constant 112 : index
      %parallel_loop3A_332 = tpu.vector_load %arg12[%parallel_loop3A_330, %parallel_loop3A_331] {strides = array<i32>} : memref<256x128xf32, #tpu.memory_space<vmem>>, vector<1x16xf32>,
      %parallel_loop3A_333 = vector.shape_cast %parallel_loop3A_332 : vector<1x16xf32> to vector<16xf32>
      %parallel_loop3A_334 = arith.index_cast %parallel_loop3A_197 : i32 to index
      %parallel_loop3A_335 = arith.constant 112 : index
      %parallel_loop3A_336 = tpu.vector_load %arg10[%parallel_loop3A_334, %parallel_loop3A_335] {strides = array<i32>} : memref<256x128xf32, #tpu.memory_space<vmem>>, vector<1x16xf32>,
      %parallel_loop3A_337 = vector.shape_cast %parallel_loop3A_336 : vector<1x16xf32> to vector<16xf32>
      %parallel_loop3A_338 = arith.addf %parallel_loop3A_333, %parallel_loop3A_337 : vector<16xf32>
      %parallel_loop3A_339 = arith.mulf %parallel_loop3A_210, %sub3A_127 : vector<16xf32>
      %parallel_loop3A_340 = arith.addf %get3A_80, %parallel_loop3A_339 : vector<16xf32>
      %parallel_loop3A_341 = arith.addf %parallel_loop3A_338, %parallel_loop3A_340 : vector<16xf32>
      %parallel_loop3A_342 = arith.index_cast %parallel_loop3A_197 : i32 to index
      %parallel_loop3A_343 = arith.constant 112 : index
      %parallel_loop3A_344 = tpu.vector_load %arg12[%parallel_loop3A_342, %parallel_loop3A_343] {strides = array<i32>} : memref<256x128xf32, #tpu.memory_space<vmem>>, vector<1x16xf32>,
      %parallel_loop3A_345 = vector.shape_cast %parallel_loop3A_344 : vector<1x16xf32> to vector<16xf32>
      %parallel_loop3A_346 = vector.shape_cast %parallel_loop3A_341 : vector<16xf32> to vector<1x16xf32>
      tpu.vector_store %arg12[%parallel_loop3A_342, %parallel_loop3A_343], %parallel_loop3A_346 {strides = array<i32>} : memref<256x128xf32, #tpu.memory_space<vmem>>, vector<1x16xf32>,
    } {sc.loop_unroll_factor = 8 : i64, sc.parallel_access}
    %add3A_140 = arith.constant 0 : i32
    %add3A_141 = arith.addi %mul3A_2, %add3A_140 : i32
    %dma_start3A_142 = arith.constant 0 : i32
    %dma_start3A_143 = arith.constant 0 : i32
    %dma_start3A_144 = tpu.memref_slice %arg12[%dma_start3A_142, %dma_start3A_143] : memref<256x128xf32, #tpu.memory_space<vmem>> -> memref<128x128xf32, #tpu.memory_space<vmem>>
    %dma_start3A_145 = arith.constant 0 : i32
    %dma_start3A_146 = tpu.memref_slice %arg7[%add3A_141, %dma_start3A_145] : memref<8192x128xf32, #tpu.memory_space<hbm>> -> memref<128x128xf32, #tpu.memory_space<hbm>>
    %dma_start3A_147 = arith.constant 0 : i32
    %dma_start3A_148 = tpu.memref_slice %arg7[%add3A_141, %dma_start3A_147] : memref<8192x128xf32, #tpu.memory_space<hbm>> -> memref<128x128xf32, #tpu.memory_space<hbm>>
    %dma_start3A_149 = arith.constant 0 : i32
    %dma_start3A_150 = arith.constant 0 : i32
    %dma_start3A_151 = tpu.memref_slice %arg12[%dma_start3A_149, %dma_start3A_150] : memref<256x128xf32, #tpu.memory_space<vmem>> -> memref<128x128xf32, #tpu.memory_space<vmem>>
    tpu.enqueue_dma source(%dma_start3A_151 : memref<128x128xf32, #tpu.memory_space<vmem>>) target(%dma_start3A_148 : memref<128x128xf32, #tpu.memory_space<hbm>>) target_semaphore(%arg15 : memref<!tpu.dma_semaphore, #tpu.memory_space<semaphore_mem>>)
    %dma_wait3A_152 = arith.constant 1 : i32
    %dma_wait3A_153 = arith.constant 128 : i32
    %dma_wait3A_154 = arith.constant 0 : i32
    %dma_wait3A_155 = tpu.memref_slice %arg12[%dma_wait3A_153, %dma_wait3A_154] : memref<256x128xf32, #tpu.memory_space<vmem>> -> memref<128x128xf32, #tpu.memory_space<vmem>>
    %dma_wait3A_156 = arith.constant 0 : i32
    %dma_wait3A_157 = tpu.memref_slice %arg8[%dma_wait3A_152, %dma_wait3A_156] : memref<2x128xi32, #tpu.memory_space<vmem>> -> memref<1x128xi32, #tpu.memory_space<vmem>>
    %dma_wait3A_158 = tpu.memref_squeeze %dma_wait3A_157 : memref<1x128xi32, #tpu.memory_space<vmem>> -> memref<128xi32, #tpu.memory_space<vmem>>
    %dma_wait3A_159 = arith.constant 0 : i32
    %dma_wait3A_160 = arith.constant 0 : i32
    %dma_wait3A_161 = tpu.memref_slice %arg4[%dma_wait3A_159, %dma_wait3A_160] : memref<100000x128xf32, #tpu.memory_space<hbm>> -> memref<100000x128xf32, #tpu.memory_space<hbm>>
    tpu.wait_indirect_dma semaphore(%arg14 : memref<!tpu.dma_semaphore, #tpu.memory_space<semaphore_mem>>) src(%dma_wait3A_161 : memref<100000x128xf32, #tpu.memory_space<hbm>>) dst(%dma_wait3A_155 : memref<128x128xf32, #tpu.memory_space<vmem>>)
    %parallel_loop3A_162 = arith.constant 128 : i32
    %parallel_loop3A_163 = arith.constant 256 : i32
    %parallel_loop3A_164 = arith.constant 1 : i32
    scf.for %parallel_loop3A_197 = %parallel_loop3A_162 to %parallel_loop3A_163 step %parallel_loop3A_164  : i32 {
      %parallel_loop3A_198 = arith.constant 16 : i32
      %parallel_loop3A_199 = arith.divsi %parallel_loop3A_197, %parallel_loop3A_198 : i32
      %parallel_loop3A_200 = arith.constant 16 : i32
      %parallel_loop3A_201 = arith.muli %parallel_loop3A_200, %parallel_loop3A_199 : i32
      %parallel_loop3A_202 = arith.index_cast %parallel_loop3A_201 : i32 to index
      %parallel_loop3A_203 = tpu.vector_load %arg9[%parallel_loop3A_202] {strides = array<i32>} : memref<256xf32, #tpu.memory_space<vmem>>, vector<16xf32>,
      %parallel_loop3A_204 = vector.shape_cast %parallel_loop3A_203 : vector<16xf32> to vector<16xf32>
      %parallel_loop3A_205 = arith.constant 16 : i32
      %parallel_loop3A_206 = arith.remsi %parallel_loop3A_197, %parallel_loop3A_205 : i32
      %parallel_loop3A_207 = vector.broadcast %parallel_loop3A_206 : i32 to vector<16xi32>
      %parallel_loop3A_208 = vector.shape_cast %parallel_loop3A_207 : vector<16xi32> to vector<16x1xi32>
      %parallel_loop3A_209 = vector.shape_cast %parallel_loop3A_208 : vector<16x1xi32> to vector<16xi32>
      %parallel_loop3A_210 = tpu.dynamic_gather %parallel_loop3A_204[%parallel_loop3A_209] in [0] : vector<16xf32>, vector<16xi32> -> vector<16xf32>
      %parallel_loop3A_211 = arith.index_cast %parallel_loop3A_197 : i32 to index
      %parallel_loop3A_212 = arith.constant 0 : index
      %parallel_loop3A_213 = tpu.vector_load %arg12[%parallel_loop3A_211, %parallel_loop3A_212] {strides = array<i32>} : memref<256x128xf32, #tpu.memory_space<vmem>>, vector<1x16xf32>,
      %parallel_loop3A_214 = vector.shape_cast %parallel_loop3A_213 : vector<1x16xf32> to vector<16xf32>
      %parallel_loop3A_215 = arith.index_cast %parallel_loop3A_197 : i32 to index
      %parallel_loop3A_216 = arith.constant 0 : index
      %parallel_loop3A_217 = tpu.vector_load %arg10[%parallel_loop3A_215, %parallel_loop3A_216] {strides = array<i32>} : memref<256x128xf32, #tpu.memory_space<vmem>>, vector<1x16xf32>,
      %parallel_loop3A_218 = vector.shape_cast %parallel_loop3A_217 : vector<1x16xf32> to vector<16xf32>
      %parallel_loop3A_219 = arith.addf %parallel_loop3A_214, %parallel_loop3A_218 : vector<16xf32>
      %parallel_loop3A_220 = arith.mulf %parallel_loop3A_210, %sub3A : vector<16xf32>
      %parallel_loop3A_221 = arith.addf %get3A_45, %parallel_loop3A_220 : vector<16xf32>
      %parallel_loop3A_222 = arith.addf %parallel_loop3A_219, %parallel_loop3A_221 : vector<16xf32>
      %parallel_loop3A_223 = arith.index_cast %parallel_loop3A_197 : i32 to index
      %parallel_loop3A_224 = arith.constant 0 : index
      %parallel_loop3A_225 = tpu.vector_load %arg12[%parallel_loop3A_223, %parallel_loop3A_224] {strides = array<i32>} : memref<256x128xf32, #tpu.memory_space<vmem>>, vector<1x16xf32>,
      %parallel_loop3A_226 = vector.shape_cast %parallel_loop3A_225 : vector<1x16xf32> to vector<16xf32>
      %parallel_loop3A_227 = vector.shape_cast %parallel_loop3A_222 : vector<16xf32> to vector<1x16xf32>
      tpu.vector_store %arg12[%parallel_loop3A_223, %parallel_loop3A_224], %parallel_loop3A_227 {strides = array<i32>} : memref<256x128xf32, #tpu.memory_space<vmem>>, vector<1x16xf32>,
      %parallel_loop3A_228 = arith.index_cast %parallel_loop3A_197 : i32 to index
      %parallel_loop3A_229 = arith.constant 16 : index
      %parallel_loop3A_230 = tpu.vector_load %arg12[%parallel_loop3A_228, %parallel_loop3A_229] {strides = array<i32>} : memref<256x128xf32, #tpu.memory_space<vmem>>, vector<1x16xf32>,
      %parallel_loop3A_231 = vector.shape_cast %parallel_loop3A_230 : vector<1x16xf32> to vector<16xf32>
      %parallel_loop3A_232 = arith.index_cast %parallel_loop3A_197 : i32 to index
      %parallel_loop3A_233 = arith.constant 16 : index
      %parallel_loop3A_234 = tpu.vector_load %arg10[%parallel_loop3A_232, %parallel_loop3A_233] {strides = array<i32>} : memref<256x128xf32, #tpu.memory_space<vmem>>, vector<1x16xf32>,
      %parallel_loop3A_235 = vector.shape_cast %parallel_loop3A_234 : vector<1x16xf32> to vector<16xf32>
      %parallel_loop3A_236 = arith.addf %parallel_loop3A_231, %parallel_loop3A_235 : vector<16xf32>
      %parallel_loop3A_237 = arith.mulf %parallel_loop3A_210, %sub3A_91 : vector<16xf32>
      %parallel_loop3A_238 = arith.addf %get3A_50, %parallel_loop3A_237 : vector<16xf32>
      %parallel_loop3A_239 = arith.addf %parallel_loop3A_236, %parallel_loop3A_238 : vector<16xf32>
      %parallel_loop3A_240 = arith.index_cast %parallel_loop3A_197 : i32 to index
      %parallel_loop3A_241 = arith.constant 16 : index
      %parallel_loop3A_242 = tpu.vector_load %arg12[%parallel_loop3A_240, %parallel_loop3A_241] {strides = array<i32>} : memref<256x128xf32, #tpu.memory_space<vmem>>, vector<1x16xf32>,
      %parallel_loop3A_243 = vector.shape_cast %parallel_loop3A_242 : vector<1x16xf32> to vector<16xf32>
      %parallel_loop3A_244 = vector.shape_cast %parallel_loop3A_239 : vector<16xf32> to vector<1x16xf32>
      tpu.vector_store %arg12[%parallel_loop3A_240, %parallel_loop3A_241], %parallel_loop3A_244 {strides = array<i32>} : memref<256x128xf32, #tpu.memory_space<vmem>>, vector<1x16xf32>,
      %parallel_loop3A_245 = arith.index_cast %parallel_loop3A_197 : i32 to index
      %parallel_loop3A_246 = arith.constant 32 : index
      %parallel_loop3A_247 = tpu.vector_load %arg12[%parallel_loop3A_245, %parallel_loop3A_246] {strides = array<i32>} : memref<256x128xf32, #tpu.memory_space<vmem>>, vector<1x16xf32>,
      %parallel_loop3A_248 = vector.shape_cast %parallel_loop3A_247 : vector<1x16xf32> to vector<16xf32>
      %parallel_loop3A_249 = arith.index_cast %parallel_loop3A_197 : i32 to index
      %parallel_loop3A_250 = arith.constant 32 : index
      %parallel_loop3A_251 = tpu.vector_load %arg10[%parallel_loop3A_249, %parallel_loop3A_250] {strides = array<i32>} : memref<256x128xf32, #tpu.memory_space<vmem>>, vector<1x16xf32>,
      %parallel_loop3A_252 = vector.shape_cast %parallel_loop3A_251 : vector<1x16xf32> to vector<16xf32>
      %parallel_loop3A_253 = arith.addf %parallel_loop3A_248, %parallel_loop3A_252 : vector<16xf32>
      %parallel_loop3A_254 = arith.mulf %parallel_loop3A_210, %sub3A_97 : vector<16xf32>
      %parallel_loop3A_255 = arith.addf %get3A_55, %parallel_loop3A_254 : vector<16xf32>
      %parallel_loop3A_256 = arith.addf %parallel_loop3A_253, %parallel_loop3A_255 : vector<16xf32>
      %parallel_loop3A_257 = arith.index_cast %parallel_loop3A_197 : i32 to index
      %parallel_loop3A_258 = arith.constant 32 : index
      %parallel_loop3A_259 = tpu.vector_load %arg12[%parallel_loop3A_257, %parallel_loop3A_258] {strides = array<i32>} : memref<256x128xf32, #tpu.memory_space<vmem>>, vector<1x16xf32>,
      %parallel_loop3A_260 = vector.shape_cast %parallel_loop3A_259 : vector<1x16xf32> to vector<16xf32>
      %parallel_loop3A_261 = vector.shape_cast %parallel_loop3A_256 : vector<16xf32> to vector<1x16xf32>
      tpu.vector_store %arg12[%parallel_loop3A_257, %parallel_loop3A_258], %parallel_loop3A_261 {strides = array<i32>} : memref<256x128xf32, #tpu.memory_space<vmem>>, vector<1x16xf32>,
      %parallel_loop3A_262 = arith.index_cast %parallel_loop3A_197 : i32 to index
      %parallel_loop3A_263 = arith.constant 48 : index
      %parallel_loop3A_264 = tpu.vector_load %arg12[%parallel_loop3A_262, %parallel_loop3A_263] {strides = array<i32>} : memref<256x128xf32, #tpu.memory_space<vmem>>, vector<1x16xf32>,
      %parallel_loop3A_265 = vector.shape_cast %parallel_loop3A_264 : vector<1x16xf32> to vector<16xf32>
      %parallel_loop3A_266 = arith.index_cast %parallel_loop3A_197 : i32 to index
      %parallel_loop3A_267 = arith.constant 48 : index
      %parallel_loop3A_268 = tpu.vector_load %arg10[%parallel_loop3A_266, %parallel_loop3A_267] {strides = array<i32>} : memref<256x128xf32, #tpu.memory_space<vmem>>, vector<1x16xf32>,
      %parallel_loop3A_269 = vector.shape_cast %parallel_loop3A_268 : vector<1x16xf32> to vector<16xf32>
      %parallel_loop3A_270 = arith.addf %parallel_loop3A_265, %parallel_loop3A_269 : vector<16xf32>
      %parallel_loop3A_271 = arith.mulf %parallel_loop3A_210, %sub3A_103 : vector<16xf32>
      %parallel_loop3A_272 = arith.addf %get3A_60, %parallel_loop3A_271 : vector<16xf32>
      %parallel_loop3A_273 = arith.addf %parallel_loop3A_270, %parallel_loop3A_272 : vector<16xf32>
      %parallel_loop3A_274 = arith.index_cast %parallel_loop3A_197 : i32 to index
      %parallel_loop3A_275 = arith.constant 48 : index
      %parallel_loop3A_276 = tpu.vector_load %arg12[%parallel_loop3A_274, %parallel_loop3A_275] {strides = array<i32>} : memref<256x128xf32, #tpu.memory_space<vmem>>, vector<1x16xf32>,
      %parallel_loop3A_277 = vector.shape_cast %parallel_loop3A_276 : vector<1x16xf32> to vector<16xf32>
      %parallel_loop3A_278 = vector.shape_cast %parallel_loop3A_273 : vector<16xf32> to vector<1x16xf32>
      tpu.vector_store %arg12[%parallel_loop3A_274, %parallel_loop3A_275], %parallel_loop3A_278 {strides = array<i32>} : memref<256x128xf32, #tpu.memory_space<vmem>>, vector<1x16xf32>,
      %parallel_loop3A_279 = arith.index_cast %parallel_loop3A_197 : i32 to index
      %parallel_loop3A_280 = arith.constant 64 : index
      %parallel_loop3A_281 = tpu.vector_load %arg12[%parallel_loop3A_279, %parallel_loop3A_280] {strides = array<i32>} : memref<256x128xf32, #tpu.memory_space<vmem>>, vector<1x16xf32>,
      %parallel_loop3A_282 = vector.shape_cast %parallel_loop3A_281 : vector<1x16xf32> to vector<16xf32>
      %parallel_loop3A_283 = arith.index_cast %parallel_loop3A_197 : i32 to index
      %parallel_loop3A_284 = arith.constant 64 : index
      %parallel_loop3A_285 = tpu.vector_load %arg10[%parallel_loop3A_283, %parallel_loop3A_284] {strides = array<i32>} : memref<256x128xf32, #tpu.memory_space<vmem>>, vector<1x16xf32>,
      %parallel_loop3A_286 = vector.shape_cast %parallel_loop3A_285 : vector<1x16xf32> to vector<16xf32>
      %parallel_loop3A_287 = arith.addf %parallel_loop3A_282, %parallel_loop3A_286 : vector<16xf32>
      %parallel_loop3A_288 = arith.mulf %parallel_loop3A_210, %sub3A_109 : vector<16xf32>
      %parallel_loop3A_289 = arith.addf %get3A_65, %parallel_loop3A_288 : vector<16xf32>
      %parallel_loop3A_290 = arith.addf %parallel_loop3A_287, %parallel_loop3A_289 : vector<16xf32>
      %parallel_loop3A_291 = arith.index_cast %parallel_loop3A_197 : i32 to index
      %parallel_loop3A_292 = arith.constant 64 : index
      %parallel_loop3A_293 = tpu.vector_load %arg12[%parallel_loop3A_291, %parallel_loop3A_292] {strides = array<i32>} : memref<256x128xf32, #tpu.memory_space<vmem>>, vector<1x16xf32>,
      %parallel_loop3A_294 = vector.shape_cast %parallel_loop3A_293 : vector<1x16xf32> to vector<16xf32>
      %parallel_loop3A_295 = vector.shape_cast %parallel_loop3A_290 : vector<16xf32> to vector<1x16xf32>
      tpu.vector_store %arg12[%parallel_loop3A_291, %parallel_loop3A_292], %parallel_loop3A_295 {strides = array<i32>} : memref<256x128xf32, #tpu.memory_space<vmem>>, vector<1x16xf32>,
      %parallel_loop3A_296 = arith.index_cast %parallel_loop3A_197 : i32 to index
      %parallel_loop3A_297 = arith.constant 80 : index
      %parallel_loop3A_298 = tpu.vector_load %arg12[%parallel_loop3A_296, %parallel_loop3A_297] {strides = array<i32>} : memref<256x128xf32, #tpu.memory_space<vmem>>, vector<1x16xf32>,
      %parallel_loop3A_299 = vector.shape_cast %parallel_loop3A_298 : vector<1x16xf32> to vector<16xf32>
      %parallel_loop3A_300 = arith.index_cast %parallel_loop3A_197 : i32 to index
      %parallel_loop3A_301 = arith.constant 80 : index
      %parallel_loop3A_302 = tpu.vector_load %arg10[%parallel_loop3A_300, %parallel_loop3A_301] {strides = array<i32>} : memref<256x128xf32, #tpu.memory_space<vmem>>, vector<1x16xf32>,
      %parallel_loop3A_303 = vector.shape_cast %parallel_loop3A_302 : vector<1x16xf32> to vector<16xf32>
      %parallel_loop3A_304 = arith.addf %parallel_loop3A_299, %parallel_loop3A_303 : vector<16xf32>
      %parallel_loop3A_305 = arith.mulf %parallel_loop3A_210, %sub3A_115 : vector<16xf32>
      %parallel_loop3A_306 = arith.addf %get3A_70, %parallel_loop3A_305 : vector<16xf32>
      %parallel_loop3A_307 = arith.addf %parallel_loop3A_304, %parallel_loop3A_306 : vector<16xf32>
      %parallel_loop3A_308 = arith.index_cast %parallel_loop3A_197 : i32 to index
      %parallel_loop3A_309 = arith.constant 80 : index
      %parallel_loop3A_310 = tpu.vector_load %arg12[%parallel_loop3A_308, %parallel_loop3A_309] {strides = array<i32>} : memref<256x128xf32, #tpu.memory_space<vmem>>, vector<1x16xf32>,
      %parallel_loop3A_311 = vector.shape_cast %parallel_loop3A_310 : vector<1x16xf32> to vector<16xf32>
      %parallel_loop3A_312 = vector.shape_cast %parallel_loop3A_307 : vector<16xf32> to vector<1x16xf32>
      tpu.vector_store %arg12[%parallel_loop3A_308, %parallel_loop3A_309], %parallel_loop3A_312 {strides = array<i32>} : memref<256x128xf32, #tpu.memory_space<vmem>>, vector<1x16xf32>,
      %parallel_loop3A_313 = arith.index_cast %parallel_loop3A_197 : i32 to index
      %parallel_loop3A_314 = arith.constant 96 : index
      %parallel_loop3A_315 = tpu.vector_load %arg12[%parallel_loop3A_313, %parallel_loop3A_314] {strides = array<i32>} : memref<256x128xf32, #tpu.memory_space<vmem>>, vector<1x16xf32>,
      %parallel_loop3A_316 = vector.shape_cast %parallel_loop3A_315 : vector<1x16xf32> to vector<16xf32>
      %parallel_loop3A_317 = arith.index_cast %parallel_loop3A_197 : i32 to index
      %parallel_loop3A_318 = arith.constant 96 : index
      %parallel_loop3A_319 = tpu.vector_load %arg10[%parallel_loop3A_317, %parallel_loop3A_318] {strides = array<i32>} : memref<256x128xf32, #tpu.memory_space<vmem>>, vector<1x16xf32>,
      %parallel_loop3A_320 = vector.shape_cast %parallel_loop3A_319 : vector<1x16xf32> to vector<16xf32>
      %parallel_loop3A_321 = arith.addf %parallel_loop3A_316, %parallel_loop3A_320 : vector<16xf32>
      %parallel_loop3A_322 = arith.mulf %parallel_loop3A_210, %sub3A_121 : vector<16xf32>
      %parallel_loop3A_323 = arith.addf %get3A_75, %parallel_loop3A_322 : vector<16xf32>
      %parallel_loop3A_324 = arith.addf %parallel_loop3A_321, %parallel_loop3A_323 : vector<16xf32>
      %parallel_loop3A_325 = arith.index_cast %parallel_loop3A_197 : i32 to index
      %parallel_loop3A_326 = arith.constant 96 : index
      %parallel_loop3A_327 = tpu.vector_load %arg12[%parallel_loop3A_325, %parallel_loop3A_326] {strides = array<i32>} : memref<256x128xf32, #tpu.memory_space<vmem>>, vector<1x16xf32>,
      %parallel_loop3A_328 = vector.shape_cast %parallel_loop3A_327 : vector<1x16xf32> to vector<16xf32>
      %parallel_loop3A_329 = vector.shape_cast %parallel_loop3A_324 : vector<16xf32> to vector<1x16xf32>
      tpu.vector_store %arg12[%parallel_loop3A_325, %parallel_loop3A_326], %parallel_loop3A_329 {strides = array<i32>} : memref<256x128xf32, #tpu.memory_space<vmem>>, vector<1x16xf32>,
      %parallel_loop3A_330 = arith.index_cast %parallel_loop3A_197 : i32 to index
      %parallel_loop3A_331 = arith.constant 112 : index
      %parallel_loop3A_332 = tpu.vector_load %arg12[%parallel_loop3A_330, %parallel_loop3A_331] {strides = array<i32>} : memref<256x128xf32, #tpu.memory_space<vmem>>, vector<1x16xf32>,
      %parallel_loop3A_333 = vector.shape_cast %parallel_loop3A_332 : vector<1x16xf32> to vector<16xf32>
      %parallel_loop3A_334 = arith.index_cast %parallel_loop3A_197 : i32 to index
      %parallel_loop3A_335 = arith.constant 112 : index
      %parallel_loop3A_336 = tpu.vector_load %arg10[%parallel_loop3A_334, %parallel_loop3A_335] {strides = array<i32>} : memref<256x128xf32, #tpu.memory_space<vmem>>, vector<1x16xf32>,
      %parallel_loop3A_337 = vector.shape_cast %parallel_loop3A_336 : vector<1x16xf32> to vector<16xf32>
      %parallel_loop3A_338 = arith.addf %parallel_loop3A_333, %parallel_loop3A_337 : vector<16xf32>
      %parallel_loop3A_339 = arith.mulf %parallel_loop3A_210, %sub3A_127 : vector<16xf32>
      %parallel_loop3A_340 = arith.addf %get3A_80, %parallel_loop3A_339 : vector<16xf32>
      %parallel_loop3A_341 = arith.addf %parallel_loop3A_338, %parallel_loop3A_340 : vector<16xf32>
      %parallel_loop3A_342 = arith.index_cast %parallel_loop3A_197 : i32 to index
      %parallel_loop3A_343 = arith.constant 112 : index
      %parallel_loop3A_344 = tpu.vector_load %arg12[%parallel_loop3A_342, %parallel_loop3A_343] {strides = array<i32>} : memref<256x128xf32, #tpu.memory_space<vmem>>, vector<1x16xf32>,
      %parallel_loop3A_345 = vector.shape_cast %parallel_loop3A_344 : vector<1x16xf32> to vector<16xf32>
      %parallel_loop3A_346 = vector.shape_cast %parallel_loop3A_341 : vector<16xf32> to vector<1x16xf32>
      tpu.vector_store %arg12[%parallel_loop3A_342, %parallel_loop3A_343], %parallel_loop3A_346 {strides = array<i32>} : memref<256x128xf32, #tpu.memory_space<vmem>>, vector<1x16xf32>,
    } {sc.loop_unroll_factor = 8 : i64, sc.parallel_access}
    %add3A_165 = arith.constant 128 : i32
    %add3A_166 = arith.addi %mul3A_2, %add3A_165 : i32
    %dma_start3A_167 = arith.constant 128 : i32
    %dma_start3A_168 = arith.constant 0 : i32
    %dma_start3A_169 = tpu.memref_slice %arg12[%dma_start3A_167, %dma_start3A_168] : memref<256x128xf32, #tpu.memory_space<vmem>> -> memref<128x128xf32, #tpu.memory_space<vmem>>
    %dma_start3A_170 = arith.constant 0 : i32
    %dma_start3A_171 = tpu.memref_slice %arg7[%add3A_166, %dma_start3A_170] : memref<8192x128xf32, #tpu.memory_space<hbm>> -> memref<128x128xf32, #tpu.memory_space<hbm>>
    %dma_start3A_172 = arith.constant 0 : i32
    %dma_start3A_173 = tpu.memref_slice %arg7[%add3A_166, %dma_start3A_172] : memref<8192x128xf32, #tpu.memory_space<hbm>> -> memref<128x128xf32, #tpu.memory_space<hbm>>
    %dma_start3A_174 = arith.constant 128 : i32
    %dma_start3A_175 = arith.constant 0 : i32
    %dma_start3A_176 = tpu.memref_slice %arg12[%dma_start3A_174, %dma_start3A_175] : memref<256x128xf32, #tpu.memory_space<vmem>> -> memref<128x128xf32, #tpu.memory_space<vmem>>
    tpu.enqueue_dma source(%dma_start3A_176 : memref<128x128xf32, #tpu.memory_space<vmem>>) target(%dma_start3A_173 : memref<128x128xf32, #tpu.memory_space<hbm>>) target_semaphore(%arg16 : memref<!tpu.dma_semaphore, #tpu.memory_space<semaphore_mem>>)
    %dma_wait3A_177 = arith.constant 0 : i32
    %dma_wait3A_178 = arith.constant 0 : i32
    %dma_wait3A_179 = tpu.memref_slice %arg12[%dma_wait3A_177, %dma_wait3A_178] : memref<256x128xf32, #tpu.memory_space<vmem>> -> memref<128x128xf32, #tpu.memory_space<vmem>>
    %dma_wait3A_180 = arith.constant 0 : i32
    %dma_wait3A_181 = tpu.memref_slice %arg7[%add3A_141, %dma_wait3A_180] : memref<8192x128xf32, #tpu.memory_space<hbm>> -> memref<128x128xf32, #tpu.memory_space<hbm>>
    %dma_wait3A_182 = arith.constant 0 : i32
    %dma_wait3A_183 = tpu.memref_slice %arg7[%add3A_141, %dma_wait3A_182] : memref<8192x128xf32, #tpu.memory_space<hbm>> -> memref<128x128xf32, #tpu.memory_space<hbm>>
    %dma_wait3A_184 = arith.constant 0 : i32
    %dma_wait3A_185 = arith.constant 0 : i32
    %dma_wait3A_186 = tpu.memref_slice %arg12[%dma_wait3A_184, %dma_wait3A_185] : memref<256x128xf32, #tpu.memory_space<vmem>> -> memref<128x128xf32, #tpu.memory_space<vmem>>
    tpu.wait_dma2 semaphore(%arg15 : memref<!tpu.dma_semaphore, #tpu.memory_space<semaphore_mem>>) src(%dma_wait3A_186 : memref<128x128xf32, #tpu.memory_space<vmem>>) dst(%dma_wait3A_183 : memref<128x128xf32, #tpu.memory_space<hbm>>)
    %dma_wait3A_187 = arith.constant 128 : i32
    %dma_wait3A_188 = arith.constant 0 : i32
    %dma_wait3A_189 = tpu.memref_slice %arg12[%dma_wait3A_187, %dma_wait3A_188] : memref<256x128xf32, #tpu.memory_space<vmem>> -> memref<128x128xf32, #tpu.memory_space<vmem>>
    %dma_wait3A_190 = arith.constant 0 : i32
    %dma_wait3A_191 = tpu.memref_slice %arg7[%add3A_166, %dma_wait3A_190] : memref<8192x128xf32, #tpu.memory_space<hbm>> -> memref<128x128xf32, #tpu.memory_space<hbm>>
    %dma_wait3A_192 = arith.constant 0 : i32
    %dma_wait3A_193 = tpu.memref_slice %arg7[%add3A_166, %dma_wait3A_192] : memref<8192x128xf32, #tpu.memory_space<hbm>> -> memref<128x128xf32, #tpu.memory_space<hbm>>
    %dma_wait3A_194 = arith.constant 128 : i32
    %dma_wait3A_195 = arith.constant 0 : i32
    %dma_wait3A_196 = tpu.memref_slice %arg12[%dma_wait3A_194, %dma_wait3A_195] : memref<256x128xf32, #tpu.memory_space<vmem>> -> memref<128x128xf32, #tpu.memory_space<vmem>>
    tpu.wait_dma2 semaphore(%arg16 : memref<!tpu.dma_semaphore, #tpu.memory_space<semaphore_mem>>) src(%dma_wait3A_196 : memref<128x128xf32, #tpu.memory_space<vmem>>) dst(%dma_wait3A_193 : memref<128x128xf32, #tpu.memory_space<hbm>>)
    return
  }
}

</mosaic_0001>

<sc_bundles>
// kernel: kernel.3.cloned.1.call-start
scs
__scs_entry_jumppad:
0x0: {  	(pc) =	sbr.rel $0x88, $3  }
0x1: {  	(tag) =	ssettag $0x0;
	lr =	simm.s32 $0x1  }
0x2: {  	[smem:$0x3F9C] =	sst lr;
	_ =	strace $0xD0000000  }
0x3: {  	_ = 	snop  }
0x4: {  	_ = 	snop  }
0x5: {  	_ = 	snop  }
0x6: {  	_ = 	snop  }
0x7: {  	_ = 	snop  }
__scs_overlays_trampoline_lowered:
0x8: {  	[smem:$0x3FAB] =	sst s0  }
0x9: {  	[smem:$0x3FAC] =	sst s1  }
0xa: {  	[smem:$0x3FAD] =	sst s2  }
0xb: {  	[smem:$0x3FAE] =	sst s3  }
0xc: {  	[smem:$0x3FAF] =	sst s4  }
0xd: {  	[smem:$0x3FB0] =	sst s5  }
0xe: {  	[smem:$0x3FB1] =	sst s6  }
0xf: {  	[smem:$0x3FB2] =	sst s7  }
0x10: {  	[smem:$0x3FB3] =	sst s8  }
0x11: {  	[smem:$0x3FB4] =	sst s9;
	s0 =	simm.s32 @!p0 $0x0  }
0x12: {  	s1 =	sld [smem:$0x3F9A];
	s0 =	simm.s32 @p0 $0x1  }
0x13: {  	[smem:$0x3FB5] =	sst s0;
	s0 =	simm.s32 @!p1 $0x0  }
0x14: {  	s2 =	sld [smem:$0x3F99];
	s0 =	simm.s32 @p1 $0x1  }
0x15: {  	[smem:$0x3FB6] =	sst s0;
	s0 =	simm.s32 @!p2 $0x0  }
0x16: {  	s3 =	sld [smem:$0x3FDB];
	s0 =	simm.s32 @p2 $0x1  }
0x17: {  	s4 =	simm.s32 $0x1BF5;
	[smem:$0x3FB8] =	sst s0  }
0x18: {  	s0 =	sld [smem:$0x3F9B];
	_ =	swait.ge [sflag:s4], $0x0  }
0x19: {  	s7 =	sld [smem:$0x3F9C]  }
0x1a: {  	s8 =	sadd.s32 $0xFFFFE003, lr  }
0x1b: {  	s9 =	sadd.s32 $0xFFFFFEF7, lr;
	s5 =	simm.s32 $0xFFFFFFFF;
	p2 =	slt.u32 s8, $0xFFFFF086  }
0x1c: {  	p1 =	slt.u32 s9, $0xF7A;
	s5 =	simm.s32 @!p2 $0x0  }
0x1d: {  	s5 =	simm.s32 @p1 $0x1;
	p0 =	seq.s32 s7, s2  }
0x1e: {  	s7 =	smul.u32 @!p0 $0xF7A, s2;
	p2 =	seq.s32 @!p0 s5, $0x0  }
0x1f: {  	s9 =	smul.u32 $0xF7A, s1;
	s8 =	simm.s32 @!p0 $0x1BF5;
	p2 =	por !p2, p0  }
0x20: {  	[sflag:s8] =	ssyncset.s32 @!p0 $0xFFFFF086;
	s6 =	sadd.s32 @!p0 s3, s7;
	s7 =	simm.s32 @!p0 $0x108  }
0x21: {  	s3 =	sadd.s32 s3, s9;
	s6 =	sadd.s32 @!p0 $0x88, s6;
	s7 =	simm.s32 @p2 $0x1082  }
0x22: {  	[simem:s7], [sflag:s8] =	dma.local @!p0 [hbm:s6], $0xF7A  }
0x23: {  	s9 =	sor.u32 $0xD0000000, s2;
	s6 =	simm.s32 $0x108;
	_ =	swait.ge @!p0 [sflag:s8], $0x0  }
0x24: {  	s3 =	sadd.s32 $0x88, s3;
	s6 =	simm.s32 @!p1 $0x1082;
	[sflag:s4] =	ssyncset.s32 $0xFFFFF086  }
0x25: {  	[simem:s6], [sflag:s4] =	dma.local [hbm:s3], $0xF7A  }
0x26: {  	[smem:$0x3F9C] =	sst s1;
	(tag) =	ssettag s2;
	_ =	strace s9  }
0x27: {  	s1 =	sld [smem:$0x3FAC]  }
0x28: {  	s2 =	sld [smem:$0x3FAD]  }
0x29: {  	s4 =	sld [smem:$0x3FAF]  }
0x2a: {  	p0 =	seq.s32 s5, $0x0;
	s5 =	sld [smem:$0x3FB0]  }
0x2b: {  	s6 =	sld [smem:$0x3FB1]  }
0x2c: {  	s7 =	sld [smem:$0x3FB2]  }
0x2d: {  	s3 =	simm.s32 $0x108;
	s8 =	sld [smem:$0x3FB3]  }
0x2e: {  	s3 =	simm.s32 @!p0 $0x1082;
	s9 =	sld [smem:$0x3FB4]  }
0x2f: {  	lr =	sadd.s32 s0, s3;
	s0 =	sld [smem:$0x3FAB]  }
0x30: {  	s3 =	sld [smem:$0x3FAE]  }
0x31: {  	[smem:$0x3FB7] =	sst s10  }
0x32: {  	s10 =	sld [smem:$0x3FB5];
	_ =	sdelay $0x3  }
0x33: {  	p0 =	seq.s32 s10, $0x1;
	s10 =	sld [smem:$0x3FB7];
	_ =	sdelay $0x3  }
0x34: {  	[smem:$0x3FB7] =	sst s10  }
0x35: {  	s10 =	sld [smem:$0x3FB6];
	_ =	sdelay $0x3  }
0x36: {  	p1 =	seq.s32 s10, $0x1;
	s10 =	sld [smem:$0x3FB7];
	_ =	sdelay $0x3  }
0x37: {  	[smem:$0x3FB7] =	sst s10  }
0x38: {  	s10 =	sld [smem:$0x3FB8]  }
0x39: {  	_ = 	snop;
	(pc) =	sbr.ind lr, $3  }
0x3a: {  	_ = 	snop  }
0x3b: {  	_ = 	snop  }
0x3c: {  	p2 =	seq.s32 s10, $0x1;
	s10 =	sld [smem:$0x3FB7]  }
0x3d: {  	_ =	shalt  }
0x3e: {  	_ =	shalt  }
0x3f: {  	_ =	shalt  }
0x40: {  	_ =	shalt  }
0x41: {  	_ =	shalt  }
0x42: {  	_ =	shalt  }
0x43: {  	_ =	shalt  }
0x44: {  	_ =	shalt  }
0x45: {  	_ =	shalt  }
0x46: {  	_ =	shalt  }
0x47: {  	_ =	shalt  }
0x48: {  	_ =	shalt  }
0x49: {  	_ =	shalt  }
0x4a: {  	_ =	shalt  }
0x4b: {  	_ =	shalt  }
0x4c: {  	_ =	shalt  }
0x4d: {  	_ =	shalt  }
0x4e: {  	_ =	shalt  }
0x4f: {  	_ =	shalt  }
0x50: {  	_ =	shalt  }
0x51: {  	_ =	shalt  }
0x52: {  	_ =	shalt  }
0x53: {  	_ =	shalt  }
0x54: {  	_ =	shalt  }
0x55: {  	_ =	shalt  }
0x56: {  	_ =	shalt  }
0x57: {  	_ =	shalt  }
0x58: {  	_ =	shalt  }
0x59: {  	_ =	shalt  }
0x5a: {  	_ =	shalt  }
0x5b: {  	_ =	shalt  }
0x5c: {  	_ =	shalt  }
0x5d: {  	_ =	shalt  }
0x5e: {  	_ =	shalt  }
0x5f: {  	_ =	shalt  }
0x60: {  	_ =	shalt  }
0x61: {  	_ =	shalt  }
0x62: {  	_ =	shalt  }
0x63: {  	_ =	shalt  }
0x64: {  	_ =	shalt  }
0x65: {  	_ =	shalt  }
0x66: {  	_ =	shalt  }
0x67: {  	_ =	shalt  }
0x68: {  	_ =	shalt  }
0x69: {  	_ =	shalt  }
0x6a: {  	_ =	shalt  }
0x6b: {  	_ =	shalt  }
0x6c: {  	_ =	shalt  }
0x6d: {  	_ =	shalt  }
0x6e: {  	_ =	shalt  }
0x6f: {  	_ =	shalt  }
0x70: {  	_ =	shalt  }
0x71: {  	_ =	shalt  }
0x72: {  	_ =	shalt  }
0x73: {  	_ =	shalt  }
0x74: {  	_ =	shalt  }
0x75: {  	_ =	shalt  }
0x76: {  	_ =	shalt  }
0x77: {  	_ =	shalt  }
0x78: {  	_ =	shalt  }
0x79: {  	_ =	shalt  }
0x7a: {  	_ =	shalt  }
0x7b: {  	_ =	shalt  }
0x7c: {  	_ =	shalt  }
0x7d: {  	_ =	shalt  }
0x7e: {  	_ =	shalt  }
0x7f: {  	_ =	shalt  }
0x80: {  	_ =	shalt  }
0x81: {  	_ =	shalt  }
0x82: {  	_ =	shalt  }
0x83: {  	_ =	shalt  }
0x84: {  	_ =	shalt  }
0x85: {  	_ =	shalt  }
0x86: {  	_ =	shalt  }
0x87: {  	_ =	shalt  }
.Lfunc_end0:
.L_simem_size_0:
called_computation_lowered:
.L_overlay_start_0:
0x88: {  	s2 =	sld [smem:$0x3FD9]  }
0x89: {  	s3 =	sld [smem:$0x3FFE];
	_ =	sdelay $0x1  }
0x8a: {  	s1 =	srdreg.scid  }
0x8b: {  	s0 =	sand.u32 $0x1, s1  }
0x8c: {  	s17 =	sshll.u32 s0, $0xA;
	s2 =	sadd.s32 s3, s2  }
0x8d: {  	s2 =	sadd.s32 s2, s17  }
0x8e: {  	[smem:$0x3FC3] =	sst s2  }
0x8f: {  	_ = 	snop  }
0x90: {  	s2 =	sld [smem:$0x3FC7]  }
0x91: {  	s18 =	sld [smem:$0x3FC6]  }
0x92: {  	s4 =	sld [smem:$0x3FC5]  }
0x93: {  	s5 =	sld [smem:$0x3FD0];
	(tm) =	ssettm $0x1  }
0x94: {  	s6 =	sld [smem:$0x3FFB];
	_ =	sdelay $0x3  }
0x95: {  	_ =	strace s6  }
0x96: {  	s6 =	sld [smem:$0x3FFC];
	_ =	sdelay $0x3  }
0x97: {  	_ =	strace s6  }
0x98: {  	s6 =	sld [smem:$0x3FFD];
	_ =	sdelay $0x3  }
0x99: {  	_ =	strace s6  }
0x9a: {  	_ =	strace $0x8FFFFFFF  }
0x9b: {  	s19 =	sld [smem:$0x3FDB];
	_ =	sdelay $0x1  }
0x9c: {  	s7 =	simm.s32 $_scs_section_size  }
0x9d: {  	s8 =	simm.s32 $_size__tile_overlayer_lowered;
	s9 =	simm.s32 $_tile_overlayer_lowered  }
0x9e: {  	s22 =	simm.s32 $0x1BFF;
	s21 =	sshll.u32 s9, $0x1;
	s6 =	sadd.s32 s7, s19  }
0x9f: {  	s10 =	simm.s32 $0x0;
	s20 =	sshll.u32 s8, $0x1;
	s8 =	sadd.s32 s21, s6  }
0xa0: {  	[timem:s10], [sflag:s22] =	dma.local [hbm:s8], s20  }
0xa1: {  	_ =	swait.ge [sflag:s22], s20  }
0xa2: {  	s7 =	ssub.s32 $0x0, s20;
	[sflag:s22] =	ssyncset.done $0x0  }
0xa3: {  	[sflag:s22] =	ssyncadd.s32 s7;
	_ =	sdelay $0x1  }
0xa4: {  	s23 =	simm.s32 $0x1B8B  }
0xa5: {  	_ =	swait.ge [sflag:s23], $0x1  }
0xa6: {  	[sflag:s23] =	ssyncset.done $0x0  }
0xa7: {  	s25 =	simm.s32 $0x1B8E;
	s24 =	sld [smem:$0x3FFE];
	[sflag:s23] =	ssyncadd.s32 $0xFFFFFFFF  }
0xa8: {  	s26 =	simm.s32 $execute0_lowered;
	[smem:$0x3FD2] =	sst s25  }
0xa9: {  	s8 =	sshll.u32 s26, $0x1;
	_ =	strace $0x80000046;
	[dreg:$0x1] =	wrdreg $0xFFFFFFFF  }
0xaa: {  	s28 =	simm.s32 $_size_execute0_lowered;
	s6 =	sadd.s32 s6, s8;
	[dreg:$0x0] =	wrdreg $0x0  }
0xab: {  	s8 =	sshll.u32 s28, $0x1;
	[dreg:$0x2] =	wrdreg s6  }
0xac: {  	[dreg:$0x3] =	wrdreg s8  }
0xad: {  	[dreg:$0x4] =	wrdreg $0xC0  }
0xae: {  	_ =	task [dreg:s10], $0x5FFFF  }
0xaf: {  	[dreg:$0x1] =	wrdreg $0xFFFFFFFF  }
0xb0: {  	[dreg:$0x0] =	wrdreg $0x60  }
0xb1: {  	[dreg:$0x2] =	wrdreg s24  }
0xb2: {  	[dreg:$0x3] =	wrdreg s2  }
0xb3: {  	[dreg:$0x4] =	wrdreg s18  }
0xb4: {  	[dreg:$0x5] =	wrdreg s4  }
0xb5: {  	[dreg:$0x6] =	wrdreg s5  }
0xb6: {  	[dreg:$0x7] =	wrdreg $0x9  }
0xb7: {  	_ =	task.clear_ibuf [dreg:s10], $0x8FFFF;
	_ =	strace $0x90000046  }
0xb8: {  	s29 =	simm.s32 $0x9;
	_ =	strace $0x80000048  }
0xb9: {  	_ =	swait.ge [sflag:s29], $0x1  }
0xba: {  	[sflag:s29] =	ssyncadd.s32 $0xFFFFFFFF  }
0xbb: {  	_ =	strace $0x90000048  }
0xbc: {  	_ =	sfence  }
0xbd: {  	s30 =	sld [smem:$0x0];
	_ =	sdelay $0x2  }
0xbe: {  	s31 =	sshll.u32 s1, $0xD;
	s1 =	sshrl.u32 s1, $0x2  }
0xbf: {  	s3 =	sand.u32 $0x4000, s31;
	s1 =	sadd.s32 s1, s30  }
0xc0: {  	s0 =	sor.u32 s3, s0;
	s1 =	sshll.u32 s1, $0x11  }
0xc1: {  	s0 =	sor.u32 s1, s0  }
0xc2: {  	s0 =	sadd.s32 $0x8F2B, s0  }
0xc3: {  	[sflag:s0] =	ssyncadd.remote.s32 $0x1  }
0xc4: {  	_ =	sfence.sel $0xFFFF  }
0xc5: {  	[dreg:$0x0] =	wrdreg $0xFFFFFFFF;
	(pc) =	sbr.abs _section_cstart, $3  }
0xc6: {  	[dreg:$0x1] =	wrdreg $0xFFFFFFFF  }
0xc7: {  	_ =	task.clear_ibuf [dreg:s10], $0x2FFFF;
	_ =	strace $0x9FFFFFFF  }
0xc8: {  	(tm) =	ssettm $0x7FFFFFFF  }
0xc9: {  	_ =	shalt  }
tec
execute0_lowered:
.L_overlay_start_1:
0x0: {  	(tag) =	ssettag $0x1  }
0x1: {  	s0 =	rddreg [dreg:$0x0]  }
0x2: {  	s1 =	rddreg [dreg:$0x1]  }
0x3: {  	s2 =	rddreg [dreg:$0x3]  }
0x4: {  	s3 =	rddreg [dreg:$0x4]  }
0x5: {  	s4 =	srdreg.scid;
	s7 =	stileid.u32;
	s13 =	simm.s32 $0x80  }
0x6: {  	s16 =	simm.s32 $0x8;
	s17 =	simm.s32 $0x8300;
	s18 =	simm.s32 $0xC300  }
0x7: {  	s19 =	simm.s32 $0x6;
	s20 =	simm.s32 $0x7;
	s21 =	simm.s32 $0x5  }
0x8: {  	s22 =	simm.s32 $0x1;
	s23 =	simm.s32 $0x2;
	s24 =	simm.s32 $0x3  }
0x9: {  	s25 =	simm.s32 $0x4;
	s26 =	simm.s32 $0x0;
	s5 =	sand.u32 $0x1, s4  }
0xa: {  	s6 =	sshll.u32 s7, $0x1;
	s4 =	simm.s32 $0x0;
	s7 =	sshll.u32 s7, $0x6  }
0xb: {  	s6 =	sor.u32 s5, s6;
	[smem:$0x7FF] =	sst s4;
	s7 =	sand.u32 $0x300, s7  }
0xc: {  	s5 =	ssub.s32 $0x2, s5;
	s8 =	sshll.u32 s6, $0x5;
	_ =	strace $0x80000047  }
0xd: {  	s9 =	sshll.u32 s6, $0xC;
	s6 =	sshll.u32 s6, $0x4;
	s31 =	sshrl.u32 s5, $0x1  }
0xe: {  	s8 =	sadd.s32 s8, s0;
	s0 =	sadd.s32 s7, s0;
	s10 =	sand.u32 $0x7000, s9  }
0xf: {  	s6 =	sand.u32 $0x70, s6;
	s11 =	ssub.s32 s5, s31;
	s5 =	sadd.s32 s2, s10  }
0x10: {  	s0 =	sadd.s32 s6, s0;
	s7 =	sadd.s32 $0x400, s8;
	s8 =	sadd.s32 s3, s9  }
0x11: {  	s10 =	smax.u32 s11, $0x1;
	s6 =	sadd.s32 $0x800, s0;
	s9 =	sadd.s32 $0x800, s8  }
.LBB2_1:
0x12: {  	s0 =	simm.s32 $0x200  }
0x13: {  	[tilespmem:s0], [sflag:$0x5] =	stream.linear.gather [hbm4b:s5+s4], $0x8000, $0x38;
	[tilespmem:$0x10300] =	vst v63  }
0x14: {  	s29 =	rddreg [dreg:$0x2];
	s2 =	simm.s32 $0x8200  }
0x15: {  	[tilespmem:s2], [sflag:$0x6] =	stream.linear.gather [hbm4b:s29+s4], $0x100, $0x38;
	[tilespmem:$0x10300] =	vst v63  }
0x16: {  	s30 =	simm.s32 $0x400;
	s31 =	simm.s32 $0x100  }
0x17: {  	[tilespmem:s31], [sflag:$0x7] =	stream.strided.gather [hbm4b:s6+s13], $0x100, s30, s13, $0x38;
	[tilespmem:$0x10300] =	vst v63  }
0x18: {  	_ = 	snop  }
0x19: {  	[tilespmem:s4], [sflag:$0x8] =	stream.linear.gather [hbm4b:s7+s4], $0x100, $0x38;
	[tilespmem:$0x10300] =	vst v63  }
0x1a: {  	_ =	swait.ge [sflag:s16], $0x100  }
0x1b: {  	[sflag:s16] =	ssyncset.done $0x0  }
0x1c: {  	[sflag:s16] =	ssyncadd.s32 $0xFFFFFF00  }
0x1d: {  	[tilespmem:s17], [sflag:$0x1] =	stream.indirect.gather [hbm4b:s1+s13], $0x80, s4, s13, $0xb8;
	[tilespmem:$0x10300] =	vst v63  }
0x1e: {  	_ = 	snop  }
0x1f: {  	[tilespmem:s18], [sflag:$0x2] =	stream.indirect.gather [hbm4b:s1+s13], $0x80, s13, s13, $0xb8;
	[tilespmem:$0x10300] =	vst v63  }
0x20: {  	_ =	swait.ge [sflag:s19], $0x100  }
0x21: {  	[sflag:s19] =	ssyncset.done $0x0  }
0x22: {  	[sflag:s19] =	ssyncadd.s32 $0xFFFFFF00  }
0x23: {  	_ =	swait.ge [sflag:s20], $0x100  }
0x24: {  	[sflag:s20] =	ssyncset.done $0x0  }
0x25: {  	[sflag:s20] =	ssyncadd.s32 $0xFFFFFF00  }
0x26: {  	_ =	swait.ge [sflag:s21], $0x8000  }
0x27: {  	[sflag:s21] =	ssyncset.done $0x0  }
0x28: {  	[sflag:s21] =	ssyncadd.s32 $0xFFFF8000  }
0x29: {  	v56 =	vld [tilespmem:$0x8200]  }
0x2a: {  	v2 =	vld [tilespmem:$0x8210]  }
0x2b: {  	v42 =	vld [tilespmem:$0x8220]  }
0x2c: {  	v4 =	vld [tilespmem:$0x8230]  }
0x2d: {  	v5 =	vld [tilespmem:$0x8240]  }
0x2e: {  	v6 =	vld [tilespmem:$0x8250]  }
0x2f: {  	v7 =	vld [tilespmem:$0x8260]  }
0x30: {  	v1 =	vld [tilespmem:$0x8270]  }
0x31: {  	v8 =	vld [tilespmem:$0x8280]  }
0x32: {  	v10 =	vld [tilespmem:$0x8290]  }
0x33: {  	v9 =	vld [tilespmem:$0x82A0]  }
0x34: {  	v11 =	vld [tilespmem:$0x82B0]  }
0x35: {  	v12 =	vld [tilespmem:$0x82C0]  }
0x36: {  	v13 =	vld [tilespmem:$0x82D0]  }
0x37: {  	v14 =	vld [tilespmem:$0x82E0]  }
0x38: {  	v15 =	vld [tilespmem:$0x82F0];
	_ =	swait.ge [sflag:s22], $0x4000  }
0x39: {  	s3 =	sor.u32 $0x1, s4;
	[sflag:s22] =	ssyncset.done $0x0  }
0x3a: {  	s28 =	sshll.u32 s3, $0x7;
	[sflag:s22] =	ssyncadd.s32 $0xFFFFC000  }
0x3b: {  	v0 =	vld [tilespmem:s28+$0x200];
	_ =	sdelay $0x3  }
0x3c: {  	s2 =	sand.u32 $0x70, s4  }
0x3d: {  	v18 =	vld [tilespmem:s2+$0x100];
	[tilespmem:$0x1FFE0] =	vst v0  }
0x3e: {  	v19 =	vld [tilespmem:s28+$0x8310]  }
0x3f: {  	v20 =	vld [tilespmem:s28+$0x210]  }
0x40: {  	v21 =	vld [tilespmem:s28+$0x8320]  }
0x41: {  	v22 =	vld [tilespmem:s28+$0x220]  }
0x42: {  	v23 =	vld [tilespmem:s28+$0x8330]  }
0x43: {  	v24 =	vld [tilespmem:s28+$0x230]  }
0x44: {  	v25 =	vld [tilespmem:s28+$0x8340]  }
0x45: {  	v26 =	vld [tilespmem:s28+$0x240]  }
0x46: {  	v27 =	vld [tilespmem:s28+$0x8350]  }
0x47: {  	v28 =	vld [tilespmem:s28+$0x250]  }
0x48: {  	v29 =	vld [tilespmem:s28+$0x8360]  }
0x49: {  	v30 =	vld [tilespmem:s28+$0x260]  }
0x4a: {  	s11 =	sor.u32 $0x2, s4;
	v31 =	vld [tilespmem:s28+$0x8370]  }
0x4b: {  	s2 =	sshll.u32 s11, $0x7;
	v32 =	vld [tilespmem:s28+$0x270]  }
0x4c: {  	v33 =	vld [tilespmem:s2+$0x8300]  }
0x4d: {  	v34 =	vld [tilespmem:s2+$0x200]  }
0x4e: {  	v35 =	vld [tilespmem:s2+$0x8310]  }
0x4f: {  	v36 =	vld [tilespmem:s2+$0x210]  }
0x50: {  	v37 =	vld [tilespmem:s2+$0x8320]  }
0x51: {  	v38 =	vld [tilespmem:s2+$0x220]  }
0x52: {  	v39 =	vld [tilespmem:s2+$0x8330]  }
0x53: {  	v16 =	vld [tilespmem:s2+$0x230]  }
0x54: {  	v41 =	vld [tilespmem:s2+$0x8340]  }
0x55: {  	v40 =	vld [tilespmem:s2+$0x240]  }
0x56: {  	s3 =	sand.u32 $0x9, s3;
	v43 =	vld [tilespmem:s2+$0x8350]  }
0x57: {  	v58 =	vmov s3;
	v55 =	vsub.f32 v8, v56;
	v44 =	vld [tilespmem:s2+$0x250]  }
0x58: {  	v9 =	vsub.f32 v9, v42;
	v59 =	vsub.f32 v11, v4;
	v0 =	vperm.xlane v18, v58;
	v45 =	vld [tilespmem:s2+$0x8360]  }
0x59: {  	v10 =	vsub.f32 v10, v2;
	v11 =	vsub.f32 v12, v5;
	v46 =	vld [tilespmem:s2+$0x260]  }
0x5a: {  	s12 =	sor.u32 $0x3, s4;
	v8 =	vmovc v1;
	v13 =	vsub.f32 v13, v6;
	v47 =	vld [tilespmem:s2+$0x8370];
	v51 =	vmul.f32 v0, v9;
	v53 =	vmul.f32 v0, v59  }
0x5b: {  	s0 =	sshll.u32 s12, $0x7;
	v14 =	vsub.f32 v14, v7;
	v15 =	vsub.f32 v15, v8;
	v48 =	vld [tilespmem:s2+$0x270]  }
0x5c: {  	s11 =	sand.u32 $0xA, s11;
	v49 =	vld [tilespmem:s0+$0x8300];
	v51 =	vadd.f32 v51, v42;
	v60 =	vadd.f32 v53, v4  }
0x5d: {  	v61 =	vmov s11;
	v50 =	vld [tilespmem:s0+$0x200];
	v1 =	vadd.f32 v20, v19;
	v23 =	vadd.f32 v24, v23  }
0x5e: {  	v52 =	vld [tilespmem:s0+$0x8310];
	v20 =	vmul.f32 v0, v14;
	v57 =	vadd.f32 v22, v21;
	v25 =	vadd.f32 v26, v25  }
0x5f: {  	v54 =	vld [tilespmem:s0+$0x210];
	v24 =	vperm.xlane v18, v61;
	v62 =	vadd.f32 v30, v29;
	v61 =	vadd.f32 v32, v31  }
0x60: {  	v3 =	vld [tilespmem:s0+$0x8320];
	v32 =	vadd.f32 v34, v33;
	v17 =	vadd.f32 v23, v60  }
0x61: {  	v12 =	vmovc v59;
	v59 =	vld [tilespmem:s0+$0x8330];
	v63 =	vmul.f32 v0, v15;
	v37 =	vadd.f32 v38, v37;
	v20 =	vadd.f32 v20, v7  }
0x62: {  	v53 =	vld [tilespmem:s0+$0x220];
	v39 =	vadd.f32 v16, v39;
	v41 =	vadd.f32 v40, v41;
	[tilespmem:$0x1FF40] =	vst v17  }
0x63: {  	v17 =	vadd.f32 v62, v20;
	v62 =	vadd.f32 v63, v8;
	v26 =	vld [tilespmem:s0+$0x230]  }
0x64: {  	v43 =	vadd.f32 v44, v43;
	v45 =	vadd.f32 v46, v45;
	v60 =	vmul.f32 v24, v55;
	v29 =	vld [tilespmem:s0+$0x8340]  }
0x65: {  	v19 =	vmul.f32 v0, v11;
	v47 =	vadd.f32 v48, v47;
	v30 =	vld [tilespmem:s0+$0x240];
	[tilespmem:$0x1FF50] =	vst v17;
	v17 =	vadd.f32 v61, v62  }
0x66: {  	v23 =	vadd.f32 v28, v27;
	v27 =	vadd.f32 v60, v56;
	v60 =	vmul.f32 v0, v13;
	v31 =	vld [tilespmem:s0+$0x8350]  }
0x67: {  	v49 =	vadd.f32 v50, v49;
	v52 =	vadd.f32 v54, v52;
	v34 =	vmul.f32 v24, v9;
	v33 =	vld [tilespmem:s0+$0x250];
	[tilespmem:$0x1FF60] =	vst v17  }
0x68: {  	v58 =	vadd.f32 v19, v5;
	v21 =	vmul.f32 v24, v12;
	v60 =	vadd.f32 v60, v6;
	v28 =	vld [tilespmem:s0+$0x8360]  }
0x69: {  	v63 =	vmul.f32 v24, v10;
	v20 =	vadd.f32 v36, v35;
	v34 =	vadd.f32 v34, v42;
	v35 =	vld [tilespmem:s0+$0x260]  }
0x6a: {  	s14 =	sor.u32 $0x4, s4;
	v36 =	vadd.f32 v21, v4;
	v16 =	vadd.f32 v23, v60;
	v38 =	vld [tilespmem:s0+$0x8370]  }
0x6b: {  	s3 =	sshll.u32 s14, $0x7;
	v22 =	vadd.f32 v63, v2;
	v27 =	vadd.f32 v32, v27;
	v62 =	vmul.f32 v24, v11;
	v61 =	vld [tilespmem:s0+$0x270]  }
0x6c: {  	v34 =	vadd.f32 v37, v34;
	v63 =	vmul.f32 v24, v14;
	v36 =	vadd.f32 v39, v36;
	v37 =	vld [tilespmem:s3+$0x8300];
	[tilespmem:$0x1FF70] =	vst v16  }
0x6d: {  	s12 =	sand.u32 $0xB, s12;
	v32 =	vadd.f32 v20, v22;
	v60 =	vadd.f32 v62, v5;
	v62 =	vmul.f32 v24, v13;
	v17 =	vld [tilespmem:s3+$0x200]  }
0x6e: {  	v23 =	vadd.f32 v25, v58;
	v20 =	vmov s12;
	v24 =	vmul.f32 v24, v15;
	v22 =	vld [tilespmem:s3+$0x8310]  }
0x6f: {  	v21 =	vadd.f32 v63, v7;
	v44 =	vperm.xlane v18, v20;
	v25 =	vadd.f32 v62, v6;
	v39 =	vld [tilespmem:s3+$0x210]  }
0x70: {  	v20 =	vmul.f32 v0, v10;
	v41 =	vadd.f32 v41, v60;
	v24 =	vadd.f32 v24, v8;
	v60 =	vld [tilespmem:s3+$0x8320]  }
0x71: {  	v45 =	vadd.f32 v45, v21;
	v26 =	vadd.f32 v26, v59;
	v58 =	vld [tilespmem:s3+$0x220]  }
0x72: {  	v29 =	vadd.f32 v30, v29;
	v46 =	vld [tilespmem:s3+$0x8330];
	v40 =	vmul.f32 v44, v55;
	v62 =	vadd.f32 v20, v2  }
0x73: {  	v63 =	vld [tilespmem:s3+$0x230];
	v21 =	vmul.f32 v44, v10;
	v43 =	vadd.f32 v43, v25;
	v47 =	vadd.f32 v47, v24  }
0x74: {  	v48 =	vld [tilespmem:s3+$0x8340];
	v16 =	vmul.f32 v44, v9;
	v24 =	vadd.f32 v57, v51;
	v30 =	vadd.f32 v33, v31  }
0x75: {  	s15 =	sor.u32 $0x5, s4;
	v50 =	vld [tilespmem:s3+$0x240];
	v33 =	vmul.f32 v44, v11;
	v25 =	vadd.f32 v40, v56;
	v54 =	vadd.f32 v21, v2  }
0x76: {  	s29 =	sshll.u32 s15, $0x7;
	v59 =	vld [tilespmem:s3+$0x260];
	v20 =	vmul.f32 v44, v13;
	v16 =	vadd.f32 v16, v42;
	v28 =	vadd.f32 v35, v28  }
0x77: {  	v19 =	vld [tilespmem:s29+$0x220];
	v40 =	vmul.f32 v44, v12;
	v38 =	vadd.f32 v61, v38;
	v33 =	vadd.f32 v33, v5  }
0x78: {  	v51 =	vld [tilespmem:s3+$0x8350];
	v35 =	vadd.f32 v20, v6;
	v49 =	vadd.f32 v49, v25  }
0x79: {  	v57 =	vld [tilespmem:s3+$0x250];
	v25 =	vadd.f32 v53, v3;
	v53 =	vadd.f32 v40, v4  }
0x7a: {  	v31 =	vld [tilespmem:s29+$0x200];
	v52 =	vadd.f32 v52, v54;
	v29 =	vadd.f32 v29, v33  }
0x7b: {  	v21 =	vld [tilespmem:s3+$0x8370];
	v40 =	vmul.f32 v44, v15;
	v30 =	vadd.f32 v30, v35;
	v37 =	vadd.f32 v17, v37  }
0x7c: {  	[tilespmem:s2+$0x8300] =	vst v27;
	v20 =	vld [tilespmem:s29+$0x8320];
	v44 =	vmul.f32 v44, v14;
	v39 =	vadd.f32 v39, v22;
	v27 =	vadd.f32 v63, v46  }
0x7d: {  	s11 =	sand.u32 $0xC, s14;
	v3 =	vld [tilespmem:s3+$0x8360];
	v16 =	vadd.f32 v25, v16;
	v25 =	vadd.f32 v1, v62  }
0x7e: {  	s12 =	sand.u32 $0xD, s15;
	v54 =	vld [tilespmem:s3+$0x270];
	v44 =	vadd.f32 v44, v7;
	v61 =	vadd.f32 v40, v8;
	v40 =	vmov s11  }
0x7f: {  	[tilespmem:s2+$0x8360] =	vst v45;
	v35 =	vld [tilespmem:s29+$0x8330];
	v45 =	vadd.f32 v57, v51;
	v57 =	vmov s12;
	v33 =	vperm.xlane v18, v40  }
0x80: {  	[tilespmem:s2+$0x8350] =	vst v43;
	v17 =	vld [tilespmem:s29+$0x8340];
	v26 =	vadd.f32 v26, v53;
	v40 =	vadd.f32 v58, v60;
	v43 =	vperm.xlane v18, v57  }
0x81: {  	s31 =	sor.u32 $0x6, s4;
	v53 =	vld [tilespmem:s29+$0x8300];
	v28 =	vadd.f32 v28, v44;
	v38 =	vadd.f32 v38, v61;
	v58 =	vmul.f32 v33, v55  }
0x82: {  	s30 =	sshll.u32 s31, $0x7;
	[tilespmem:s2+$0x8310] =	vst v32;
	v22 =	vld [tilespmem:s29+$0x8350];
	v19 =	vadd.f32 v19, v20;
	v60 =	vmul.f32 v33, v10;
	v46 =	vmul.f32 v33, v12  }
0x83: {  	[tilespmem:s2+$0x8320] =	vst v34;
	v51 =	vld [tilespmem:s30+$0x210];
	v63 =	vmul.f32 v33, v9;
	v59 =	vadd.f32 v59, v3;
	v21 =	vadd.f32 v54, v21  }
0x84: {  	[tilespmem:s2+$0x8340] =	vst v41;
	v44 =	vld [tilespmem:s29+$0x230];
	v41 =	vmul.f32 v33, v13;
	v32 =	vadd.f32 v58, v56;
	v58 =	vadd.f32 v60, v2  }
0x85: {  	[tilespmem:s0+$0x8320] =	vst v16;
	v20 =	vld [tilespmem:s30+$0x8340];
	v16 =	vmul.f32 v43, v55;
	v34 =	vadd.f32 v63, v42;
	v46 =	vadd.f32 v46, v4  }
0x86: {  	v54 =	vmul.f32 v43, v10;
	v60 =	vld [tilespmem:s29+$0x250];
	v41 =	vadd.f32 v41, v6;
	v31 =	vadd.f32 v31, v53  }
0x87: {  	[tilespmem:s2+$0x8330] =	vst v36;
	v36 =	vadd.f32 v39, v58;
	v58 =	vadd.f32 v50, v48;
	v48 =	vld [tilespmem:s30+$0x8300]  }
0x88: {  	[tilespmem:s2+$0x8370] =	vst v47;
	v16 =	vadd.f32 v16, v56;
	v57 =	vadd.f32 v54, v2;
	v50 =	vld [tilespmem:s30+$0x200]  }
0x89: {  	[tilespmem:s0+$0x8300] =	vst v49;
	v32 =	vadd.f32 v37, v32;
	v37 =	vmul.f32 v33, v11;
	v41 =	vadd.f32 v45, v41;
	v45 =	vld [tilespmem:s30+$0x8310]  }
0x8a: {  	[tilespmem:s0+$0x8310] =	vst v52;
	v53 =	vmul.f32 v43, v11;
	v34 =	vadd.f32 v40, v34;
	v35 =	vadd.f32 v44, v35;
	v44 =	vld [tilespmem:s30+$0x240]  }
0x8b: {  	v1 =	vld [tilespmem:s29+$0x8310];
	[tilespmem:s0+$0x8340] =	vst v29;
	v27 =	vadd.f32 v27, v46;
	v37 =	vadd.f32 v37, v5  }
0x8c: {  	v62 =	vld [tilespmem:s29+$0x210];
	[tilespmem:s0+$0x8350] =	vst v30;
	v16 =	vadd.f32 v31, v16;
	v31 =	vadd.f32 v53, v5  }
0x8d: {  	v52 =	vld [tilespmem:s30+$0x8320];
	[tilespmem:s0+$0x8330] =	vst v26;
	v22 =	vadd.f32 v60, v22;
	v37 =	vadd.f32 v58, v37  }
0x8e: {  	[tilespmem:s0+$0x8360] =	vst v28;
	v40 =	vld [tilespmem:s29+$0x8370];
	v58 =	vmul.f32 v33, v14;
	v33 =	vmul.f32 v33, v15;
	v60 =	vadd.f32 v50, v48  }
0x8f: {  	v29 =	vmul.f32 v43, v9;
	[tilespmem:s0+$0x8370] =	vst v38;
	v46 =	vld [tilespmem:s29+$0x270];
	v45 =	vadd.f32 v51, v45;
	v20 =	vadd.f32 v44, v20  }
0x90: {  	s12 =	sand.u32 $0xE, s31;
	v61 =	vld [tilespmem:s29+$0x240];
	[tilespmem:s3+$0x8300] =	vst v32;
	v47 =	vadd.f32 v58, v7;
	v33 =	vadd.f32 v33, v8  }
0x91: {  	v49 =	vld [tilespmem:s30+$0x220];
	[tilespmem:s3+$0x8310] =	vst v36;
	v58 =	vadd.f32 v62, v1;
	v62 =	vadd.f32 v29, v42;
	v29 =	vmov s12  }
0x92: {  	v32 =	vld [tilespmem:s30+$0x8350];
	[tilespmem:s3+$0x8320] =	vst v34;
	v29 =	vperm.xlane v18, v29;
	v26 =	vadd.f32 v59, v47;
	v21 =	vadd.f32 v21, v33  }
0x93: {  	v36 =	vld [tilespmem:s30+$0x250];
	[tilespmem:s3+$0x8330] =	vst v27;
	v59 =	vmul.f32 v43, v12;
	v30 =	vadd.f32 v58, v57;
	v19 =	vadd.f32 v19, v62  }
0x94: {  	v63 =	vld [tilespmem:s29+$0x8360];
	[tilespmem:s3+$0x8350] =	vst v41;
	v57 =	vmul.f32 v43, v13;
	v58 =	vmul.f32 v43, v14;
	v47 =	vadd.f32 v46, v40  }
0x95: {  	v39 =	vld [tilespmem:s29+$0x260];
	[tilespmem:s29+$0x8300] =	vst v16;
	v62 =	vmul.f32 v43, v15;
	v1 =	vadd.f32 v59, v4;
	v59 =	vadd.f32 v61, v17  }
0x96: {  	v54 =	vld [tilespmem:s30+$0x230];
	[tilespmem:s3+$0x8340] =	vst v37;
	v16 =	vmul.f32 v29, v9;
	v61 =	vadd.f32 v57, v6;
	v34 =	vadd.f32 v58, v7  }
0x97: {  	v33 =	vld [tilespmem:s30+$0x8330];
	v50 =	vmul.f32 v29, v14;
	v28 =	vadd.f32 v62, v8;
	[tilespmem:s29+$0x8320] =	vst v19;
	v19 =	vadd.f32 v49, v52  }
0x98: {  	[tilespmem:s3+$0x8360] =	vst v26;
	v52 =	vadd.f32 v36, v32;
	v16 =	vadd.f32 v16, v42  }
0x99: {  	[tilespmem:s3+$0x8370] =	vst v21;
	v21 =	vadd.f32 v50, v7;
	v35 =	vadd.f32 v35, v1  }
0x9a: {  	v57 =	vmul.f32 v29, v55;
	[tilespmem:s29+$0x8310] =	vst v30;
	v1 =	vadd.f32 v39, v63;
	v53 =	vadd.f32 v59, v31  }
0x9b: {  	v43 =	vld [tilespmem:s30+$0x260];
	v22 =	vadd.f32 v22, v61;
	v59 =	vmul.f32 v29, v10;
	v28 =	vadd.f32 v47, v28;
	[tilespmem:s29+$0x8330] =	vst v35  }
0x9c: {  	v17 =	vld [tilespmem:s30+$0x8360];
	v31 =	vadd.f32 v57, v56;
	v61 =	vmul.f32 v29, v12;
	v33 =	vadd.f32 v54, v33;
	[tilespmem:s29+$0x8340] =	vst v53  }
0x9d: {  	v40 =	vld [tilespmem:s30+$0x270];
	v51 =	vmul.f32 v29, v15;
	v16 =	vadd.f32 v19, v16;
	v58 =	vadd.f32 v1, v34;
	[tilespmem:s29+$0x8350] =	vst v22  }
0x9e: {  	v39 =	vld [tilespmem:s30+$0x8370];
	v19 =	vmul.f32 v29, v13;
	v34 =	vadd.f32 v59, v2;
	v30 =	vadd.f32 v61, v4;
	[tilespmem:s29+$0x8370] =	vst v28  }
0x9f: {  	v63 =	vadd.f32 v60, v31;
	v28 =	vadd.f32 v51, v8;
	[tilespmem:s30+$0x8320] =	vst v16  }
0xa0: {  	v1 =	vmul.f32 v29, v11;
	v19 =	vadd.f32 v19, v6;
	v34 =	vadd.f32 v45, v34;
	[tilespmem:s29+$0x8360] =	vst v58  }
0xa1: {  	v54 =	vadd.f32 v43, v17;
	v45 =	vadd.f32 v33, v30;
	[tilespmem:s30+$0x8300] =	vst v63  }
0xa2: {  	v31 =	vadd.f32 v1, v5;
	v19 =	vadd.f32 v52, v19;
	[tilespmem:s30+$0x8310] =	vst v34  }
0xa3: {  	s14 =	sor.u32 $0x7, s4;
	v57 =	vadd.f32 v40, v39;
	v21 =	vadd.f32 v54, v21;
	[tilespmem:s30+$0x8330] =	vst v45  }
0xa4: {  	s15 =	sshll.u32 s14, $0x7;
	v16 =	vadd.f32 v20, v31;
	[tilespmem:s30+$0x8350] =	vst v19  }
0xa5: {  	v38 =	vld [tilespmem:s15+$0x8330];
	v28 =	vadd.f32 v57, v28;
	[tilespmem:s30+$0x8360] =	vst v21  }
0xa6: {  	v27 =	vld [tilespmem:s15+$0x8300];
	[tilespmem:s30+$0x8340] =	vst v16  }
0xa7: {  	v41 =	vld [tilespmem:s15+$0x8310];
	[tilespmem:s30+$0x8370] =	vst v28  }
0xa8: {  	v48 =	vld [tilespmem:$0x1FF40]  }
0xa9: {  	v37 =	vld [tilespmem:s15+$0x200]  }
0xaa: {  	v46 =	vld [tilespmem:s15+$0x210]  }
0xab: {  	v49 =	vld [tilespmem:s15+$0x230]  }
0xac: {  	v47 =	vld [tilespmem:s15+$0x8320]  }
0xad: {  	v35 =	vld [tilespmem:s15+$0x220];
	[tilespmem:s28+$0x8330] =	vst v48  }
0xae: {  	v1 =	vld [tilespmem:$0x1FF50]  }
0xaf: {  	v53 =	vld [tilespmem:s15+$0x240]  }
0xb0: {  	v29 =	vld [tilespmem:s15+$0x8360]  }
0xb1: {  	v61 =	vld [tilespmem:s15+$0x260]  }
0xb2: {  	v17 =	vld [tilespmem:s15+$0x8350]  }
0xb3: {  	v33 =	vld [tilespmem:s15+$0x8340];
	[tilespmem:s28+$0x8360] =	vst v1  }
0xb4: {  	v1 =	vld [tilespmem:$0x1FF60]  }
0xb5: {  	v58 =	vld [tilespmem:s15+$0x250]  }
0xb6: {  	v62 =	vmov s14;
	s29 =	simm.s32 $0x0;
	v63 =	vld [tilespmem:s15+$0x270]  }
0xb7: {  	v26 =	vperm.xlane v18, v62;
	v62 =	vadd.f32 v46, v41;
	v46 =	vld [tilespmem:s29+$0x200]  }
0xb8: {  	v30 =	vadd.f32 v49, v38;
	v49 =	vld [tilespmem:s29+$0x8310]  }
0xb9: {  	v59 =	vmul.f32 v26, v55;
	v51 =	vld [tilespmem:s29+$0x210];
	[tilespmem:s28+$0x8370] =	vst v1  }
0xba: {  	v60 =	vmul.f32 v26, v10;
	v1 =	vld [tilespmem:$0x1FF70]  }
0xbb: {  	v27 =	vadd.f32 v37, v27;
	v20 =	vadd.f32 v59, v56;
	v34 =	vld [tilespmem:s15+$0x8370]  }
0xbc: {  	v19 =	vadd.f32 v60, v2;
	v60 =	vld [tilespmem:s29+$0x230];
	[tilespmem:s28+$0x8340] =	vst v23  }
0xbd: {  	v43 =	vmul.f32 v26, v12;
	v52 =	vmul.f32 v26, v14;
	v20 =	vadd.f32 v27, v20;
	v27 =	vld [tilespmem:s29+$0x8300];
	[tilespmem:s28+$0x8320] =	vst v24  }
0xbe: {  	v45 =	vadd.f32 v35, v47;
	v16 =	vmul.f32 v26, v9;
	v39 =	vadd.f32 v58, v17;
	v17 =	vld [tilespmem:s29+$0x8320];
	[tilespmem:s28+$0x8310] =	vst v25  }
0xbf: {  	v47 =	vmul.f32 v26, v13;
	v21 =	vadd.f32 v43, v4;
	v32 =	vadd.f32 v53, v33;
	v53 =	vld [tilespmem:s29+$0x220];
	[tilespmem:s28+$0x8350] =	vst v1  }
0xc0: {  	s31 =	sand.u32 $0x8, s4;
	v44 =	vmul.f32 v26, v11;
	v19 =	vadd.f32 v62, v19;
	v58 =	vld [tilespmem:s29+$0x8330];
	v16 =	vadd.f32 v16, v42;
	[tilespmem:$0x1FF80] =	vst v10  }
0xc1: {  	v50 =	vmov s31;
	v22 =	vadd.f32 v52, v7;
	v37 =	vadd.f32 v47, v6;
	[tilespmem:s15+$0x8300] =	vst v20  }
0xc2: {  	v18 =	vperm.xlane v18, v50;
	v28 =	vadd.f32 v44, v5;
	v16 =	vadd.f32 v45, v16;
	v62 =	vld [tilespmem:s29+$0x8340];
	[tilespmem:s15+$0x8310] =	vst v19  }
0xc3: {  	v26 =	vmul.f32 v26, v15;
	v21 =	vadd.f32 v30, v21;
	v57 =	vadd.f32 v39, v37;
	v37 =	vld [tilespmem:s29+$0x240];
	[tilespmem:$0x1FF90] =	vst v2  }
0xc4: {  	v41 =	vmul.f32 v18, v9;
	v29 =	vadd.f32 v61, v29;
	v54 =	vadd.f32 v32, v28;
	[tilespmem:s15+$0x8320] =	vst v16  }
0xc5: {  	v59 =	vmul.f32 v18, v55;
	v26 =	vadd.f32 v26, v8;
	v34 =	vadd.f32 v63, v34;
	v39 =	vld [tilespmem:s29+$0x8350];
	[tilespmem:s15+$0x8330] =	vst v21  }
0xc6: {  	v47 =	vadd.f32 v41, v42;
	v38 =	vadd.f32 v51, v49;
	v43 =	vld [tilespmem:s29+$0x250];
	[tilespmem:s15+$0x8340] =	vst v54  }
0xc7: {  	v61 =	vmul.f32 v18, v10;
	v63 =	vadd.f32 v59, v56;
	v40 =	vadd.f32 v34, v26;
	v44 =	vld [tilespmem:s29+$0x270];
	[tilespmem:$0x1FFA0] =	vst v11  }
0xc8: {  	v1 =	vadd.f32 v46, v27;
	v16 =	vadd.f32 v29, v22;
	[tilespmem:s15+$0x8350] =	vst v57  }
0xc9: {  	v45 =	vmul.f32 v18, v12;
	v50 =	vadd.f32 v60, v58;
	v19 =	vadd.f32 v61, v2;
	v49 =	vld [tilespmem:s29+$0x8360];
	[tilespmem:$0x1FFB0] =	vst v13  }
0xca: {  	v48 =	vadd.f32 v53, v17;
	v20 =	vadd.f32 v1, v63;
	[tilespmem:s15+$0x8360] =	vst v16  }
0xcb: {  	v24 =	vadd.f32 v45, v4;
	v19 =	vadd.f32 v38, v19;
	[tilespmem:s15+$0x8370] =	vst v40  }
0xcc: {  	v46 =	vmul.f32 v18, v11;
	v52 =	vld [tilespmem:s29+$0x260];
	[tilespmem:s29+$0x8300] =	vst v20  }
0xcd: {  	v59 =	vadd.f32 v48, v47;
	v24 =	vadd.f32 v50, v24;
	v54 =	vld [tilespmem:s29+$0x8370];
	[tilespmem:s29+$0x8310] =	vst v19  }
0xce: {  	v53 =	vadd.f32 v37, v62;
	v16 =	vadd.f32 v46, v5;
	v58 =	vld [tilespmem:s28+$0x8300];
	[tilespmem:$0x1FFC0] =	vst v15  }
0xcf: {  	[tilespmem:s29+$0x8320] =	vst v59  }
0xd0: {  	v16 =	vadd.f32 v53, v16;
	[tilespmem:s29+$0x8330] =	vst v24  }
0xd1: {  	v51 =	vmul.f32 v18, v13;
	[tilespmem:$0x1FFD0] =	vst v55  }
0xd2: {  	v60 =	vmul.f32 v18, v14;
	[tilespmem:s29+$0x8340] =	vst v16  }
0xd3: {  	v57 =	vadd.f32 v51, v6;
	v29 =	vadd.f32 v43, v39;
	v1 =	vld [tilespmem:$0x1FFE0]  }
0xd4: {  	v18 =	vmul.f32 v18, v15;
	v62 =	vadd.f32 v60, v7  }
0xd5: {  	v0 =	vmul.f32 v0, v55;
	v19 =	vadd.f32 v29, v57;
	v61 =	vadd.f32 v52, v49  }
0xd6: {  	v18 =	vadd.f32 v18, v8;
	v21 =	vadd.f32 v44, v54  }
0xd7: {  	v0 =	vadd.f32 v0, v56;
	[tilespmem:s29+$0x8350] =	vst v19;
	v16 =	vadd.f32 v61, v62  }
0xd8: {  	[tilespmem:$0x1FFF0] =	vst v56;
	v18 =	vadd.f32 v21, v18;
	v63 =	vadd.f32 v1, v58  }
0xd9: {  	[tilespmem:s29+$0x8360] =	vst v16  }
0xda: {  	s0 =	simm.s32 $0x8;
	[tilespmem:s29+$0x8370] =	vst v18;
	v16 =	vadd.f32 v63, v0  }
.LBB2_2:
0xdb: {  	v1 =	vld [tilespmem:$0x1FFD0]  }
0xdc: {  	v11 =	vld [tilespmem:$0x1FFA0]  }
0xdd: {  	v10 =	vld [tilespmem:$0x1FF80]  }
0xde: {  	v13 =	vld [tilespmem:$0x1FFB0]  }
0xdf: {  	v3 =	vld [tilespmem:$0x1FFC0]  }
0xe0: {  	s2 =	sand.u32 $0x70, s0;
	v15 =	vld [tilespmem:$0x1FFF0]  }
0xe1: {  	s29 =	sshll.u32 s0, $0x7;
	s11 =	sor.u32 $0x1, s0;
	v46 =	vld [tilespmem:s2+$0x100]  }
0xe2: {  	[tilespmem:s28+$0x8300] =	vst v16;
	s28 =	sshll.u32 s11, $0x7;
	v0 =	vld [tilespmem:s29+$0x270]  }
0xe3: {  	v53 =	vld [tilespmem:s28+$0x200]  }
0xe4: {  	s3 =	smov.u32 s0;
	s30 =	sadd.s32 $0x8, s0;
	v18 =	vld [tilespmem:s28+$0x8310]  }
0xe5: {  	p0 =	slt.u32 s0, $0x78;
	s12 =	sand.u32 $0x9, s11;
	s0 =	sor.u32 $0x6, s3;
	v20 =	vld [tilespmem:s28+$0x210]  }
0xe6: {  	s2 =	sor.u32 $0x5, s3;
	s14 =	sand.u32 $0x8, s3;
	s31 =	sand.u32 $0xE, s0;
	v24 =	vld [tilespmem:s28+$0x220]  }
0xe7: {  	s15 =	sand.u32 $0xD, s2;
	v19 =	vmov s12;
	v23 =	vmov s14;
	v26 =	vld [tilespmem:s28+$0x8330];
	s14 =	sor.u32 $0x2, s3;
	v22 =	vmov s31;
	s31 =	sor.u32 $0x7, s3  }
0xe8: {  	v27 =	vld [tilespmem:s28+$0x230];
	v21 =	vmov s15;
	s15 =	sand.u32 $0xA, s14;
	v54 =	vmov s31;
	v50 =	vperm.xlane v46, v19  }
0xe9: {  	v56 =	vld [tilespmem:s28+$0x240];
	v38 =	vperm.xlane v46, v21;
	v21 =	vperm.xlane v46, v54;
	v54 =	vmov s15  }
0xea: {  	v57 =	vld [tilespmem:s28+$0x250];
	v22 =	vperm.xlane v46, v22;
	v54 =	vperm.xlane v46, v54  }
0xeb: {  	v52 =	vld [tilespmem:s28+$0x8360];
	v25 =	vmul.f32 v50, v9;
	v28 =	vmul.f32 v50, v12  }
0xec: {  	v60 =	vld [tilespmem:s28+$0x260];
	v55 =	vmul.f32 v50, v11;
	v29 =	vmul.f32 v50, v14  }
0xed: {  	v19 =	vld [tilespmem:s28+$0x8320];
	v41 =	vmul.f32 v22, v1;
	v30 =	vmul.f32 v22, v10  }
0xee: {  	v47 =	vadd.f32 v20, v18;
	v18 =	vld [tilespmem:s28+$0x8340];
	v39 =	vmul.f32 v22, v9;
	v37 =	vmul.f32 v22, v12  }
0xef: {  	v62 =	vld [tilespmem:s28+$0x270];
	s11 =	sshll.u32 s14, $0x7;
	v58 =	vadd.f32 v27, v26;
	v36 =	vmul.f32 v22, v11;
	v35 =	vmul.f32 v22, v13  }
0xf0: {  	v34 =	vmul.f32 v22, v14;
	v33 =	vmul.f32 v22, v3;
	v51 =	vadd.f32 v55, v5;
	v55 =	vld [tilespmem:s11+$0x8300]  }
0xf1: {  	v32 =	vmul.f32 v21, v1;
	v59 =	vadd.f32 v28, v4;
	v28 =	vadd.f32 v60, v52;
	v60 =	vld [tilespmem:s11+$0x8320]  }
0xf2: {  	v31 =	vmul.f32 v21, v10;
	v63 =	vmul.f32 v21, v13;
	v49 =	vadd.f32 v24, v19;
	v19 =	vld [tilespmem:s28+$0x8350]  }
0xf3: {  	[tilespmem:$0x1FF30] =	vst v53;
	v27 =	vmul.f32 v21, v12;
	v26 =	vmul.f32 v21, v11;
	v53 =	vadd.f32 v56, v18;
	v18 =	vld [tilespmem:s28+$0x8370]  }
0xf4: {  	v22 =	vmul.f32 v21, v14;
	v2 =	vmul.f32 v50, v3;
	[tilespmem:$0x1FF10] =	vst v63;
	v40 =	vadd.f32 v29, v7;
	v63 =	vld [tilespmem:s11+$0x220]  }
0xf5: {  	[tilespmem:$0x1FF20] =	vst v0;
	v20 =	vmul.f32 v21, v3;
	v0 =	vmul.f32 v54, v1;
	v61 =	vadd.f32 v58, v59;
	v58 =	vld [tilespmem:s11+$0x210]  }
0xf6: {  	v48 =	vadd.f32 v25, v42;
	v24 =	vmul.f32 v21, v9;
	v21 =	vadd.f32 v28, v40;
	v28 =	vld [tilespmem:s11+$0x230]  }
0xf7: {  	v2 =	vadd.f32 v2, v8;
	v56 =	vadd.f32 v57, v19;
	v19 =	vld [tilespmem:s11+$0x200]  }
0xf8: {  	v40 =	vadd.f32 v0, v15;
	v0 =	vld [tilespmem:s11+$0x240];
	v25 =	vadd.f32 v62, v18  }
0xf9: {  	s14 =	sor.u32 $0x3, s3;
	v57 =	vld [tilespmem:s11+$0x8310]  }
0xfa: {  	s12 =	sshll.u32 s14, $0x7;
	[tilespmem:s28+$0x8360] =	vst v21;
	v21 =	vadd.f32 v25, v2;
	v2 =	vld [tilespmem:$0x1FF90]  }
0xfb: {  	v17 =	vmul.f32 v54, v11;
	v48 =	vadd.f32 v49, v48;
	v49 =	vld [tilespmem:s12+$0x230]  }
0xfc: {  	v51 =	vadd.f32 v53, v51;
	v53 =	vld [tilespmem:s11+$0x270];
	v19 =	vadd.f32 v19, v55  }
0xfd: {  	v52 =	vmul.f32 v54, v10;
	v29 =	vmul.f32 v50, v13;
	v17 =	vadd.f32 v17, v5;
	v55 =	vld [tilespmem:s11+$0x8330]  }
0xfe: {  	v59 =	vmul.f32 v54, v14;
	[tilespmem:s28+$0x8330] =	vst v61;
	v60 =	vadd.f32 v63, v60;
	v63 =	vld [tilespmem:s11+$0x8350];
	v19 =	vadd.f32 v19, v40  }
0xff: {  	v61 =	vmul.f32 v54, v9;
	[tilespmem:s28+$0x8320] =	vst v48;
	v40 =	vadd.f32 v58, v57;
	v58 =	vld [tilespmem:s11+$0x8340];
	v25 =	vadd.f32 v52, v2  }
0x100: {  	v29 =	vadd.f32 v29, v6;
	v48 =	vld [tilespmem:s12+$0x240];
	[tilespmem:s28+$0x8340] =	vst v51;
	v51 =	vadd.f32 v59, v7;
	v62 =	vmul.f32 v54, v12  }
0x101: {  	[tilespmem:s28+$0x8370] =	vst v21;
	v21 =	vadd.f32 v61, v42;
	v25 =	vadd.f32 v40, v25;
	v40 =	vld [tilespmem:s11+$0x250]  }
0x102: {  	v62 =	vadd.f32 v62, v4;
	v28 =	vadd.f32 v28, v55;
	v55 =	vld [tilespmem:s11+$0x8360]  }
0x103: {  	v29 =	vadd.f32 v56, v29;
	v56 =	vmul.f32 v54, v13;
	[tilespmem:s11+$0x8310] =	vst v25;
	v25 =	vadd.f32 v60, v21;
	v60 =	vld [tilespmem:s11+$0x260]  }
0x104: {  	v54 =	vmul.f32 v54, v3;
	v62 =	vadd.f32 v28, v62;
	v0 =	vadd.f32 v0, v58;
	v28 =	vld [tilespmem:s11+$0x8370]  }
0x105: {  	[tilespmem:s28+$0x8350] =	vst v29;
	v29 =	vadd.f32 v56, v6;
	v56 =	vld [tilespmem:s12+$0x200];
	v21 =	vmul.f32 v50, v1;
	v50 =	vmul.f32 v50, v10  }
0x106: {  	s15 =	sand.u32 $0xB, s14;
	v58 =	vld [tilespmem:s12+$0x210];
	v0 =	vadd.f32 v0, v17;
	v17 =	vadd.f32 v40, v63  }
0x107: {  	s3 =	sor.u32 $0x4, s3;
	v54 =	vadd.f32 v54, v8;
	[tilespmem:s11+$0x8330] =	vst v62;
	v62 =	vmov s15;
	v50 =	vadd.f32 v50, v2;
	v40 =	vld [tilespmem:s12+$0x8300]  }
0x108: {  	s14 =	sand.u32 $0xC, s3;
	s3 =	sshll.u32 s3, $0x7;
	[tilespmem:s11+$0x8320] =	vst v25;
	v25 =	vperm.xlane v46, v62;
	v63 =	vadd.f32 v17, v29;
	v17 =	vadd.f32 v60, v55;
	v29 =	vld [tilespmem:s12+$0x8310]  }
0x109: {  	[tilespmem:s11+$0x8340] =	vst v0;
	v47 =	vadd.f32 v47, v50;
	v50 =	vld [tilespmem:s3+$0x210];
	v0 =	vadd.f32 v53, v28  }
0x10a: {  	v55 =	vmul.f32 v25, v1;
	v28 =	vld [tilespmem:s12+$0x8320];
	v17 =	vadd.f32 v17, v51  }
0x10b: {  	v51 =	vld [tilespmem:s12+$0x220];
	v0 =	vadd.f32 v0, v54;
	v54 =	vmul.f32 v25, v10  }
0x10c: {  	v40 =	vadd.f32 v56, v40;
	v56 =	vld [tilespmem:s12+$0x8330];
	[tilespmem:s11+$0x8360] =	vst v17;
	v17 =	vadd.f32 v55, v15  }
0x10d: {  	v62 =	vmul.f32 v25, v9;
	[tilespmem:s11+$0x8370] =	vst v0;
	v0 =	vadd.f32 v58, v29;
	v58 =	vadd.f32 v54, v2;
	v54 =	vld [tilespmem:s12+$0x8340]  }
0x10e: {  	[tilespmem:s11+$0x8350] =	vst v63;
	v63 =	vmul.f32 v25, v12;
	v29 =	vld [tilespmem:s12+$0x8350];
	v17 =	vadd.f32 v40, v17  }
0x10f: {  	v53 =	vmul.f32 v25, v11;
	v55 =	vadd.f32 v62, v42;
	v40 =	vld [tilespmem:s12+$0x8360]  }
0x110: {  	v28 =	vadd.f32 v51, v28;
	v51 =	vld [tilespmem:s12+$0x250];
	[tilespmem:s12+$0x8300] =	vst v17;
	v17 =	vadd.f32 v63, v4  }
0x111: {  	v62 =	vadd.f32 v49, v56;
	v63 =	vadd.f32 v53, v5;
	v53 =	vld [tilespmem:s12+$0x260]  }
0x112: {  	v0 =	vadd.f32 v0, v58;
	v58 =	vadd.f32 v28, v55;
	v28 =	vld [tilespmem:s12+$0x8370]  }
0x113: {  	v55 =	vadd.f32 v62, v17;
	v17 =	vadd.f32 v48, v54;
	v48 =	vld [tilespmem:s12+$0x270]  }
0x114: {  	v60 =	vmul.f32 v25, v13;
	v62 =	vld [tilespmem:s3+$0x8300]  }
0x115: {  	v59 =	vmul.f32 v25, v3;
	v25 =	vmul.f32 v25, v14;
	[tilespmem:s12+$0x8320] =	vst v58;
	v58 =	vadd.f32 v17, v63;
	v63 =	vld [tilespmem:s3+$0x200]  }
0x116: {  	[tilespmem:s28+$0x8310] =	vst v47;
	v47 =	vld [tilespmem:s3+$0x8340];
	v56 =	vadd.f32 v60, v6;
	v60 =	vmov s14;
	v17 =	vadd.f32 v51, v29  }
0x117: {  	v25 =	vadd.f32 v25, v7;
	v49 =	vld [tilespmem:s3+$0x8330];
	v29 =	vperm.xlane v46, v60  }
0x118: {  	v18 =	vperm.xlane v46, v23;
	[tilespmem:s12+$0x8330] =	vst v55;
	v56 =	vadd.f32 v17, v56;
	v17 =	vadd.f32 v53, v40;
	v40 =	vld [tilespmem:s3+$0x8310]  }
0x119: {  	v55 =	vld [tilespmem:s3+$0x220];
	[tilespmem:s12+$0x8340] =	vst v58;
	v58 =	vadd.f32 v59, v8;
	v60 =	vmul.f32 v29, v1;
	v59 =	vadd.f32 v48, v28  }
0x11a: {  	[tilespmem:s12+$0x8310] =	vst v0;
	v28 =	vld [tilespmem:s3+$0x8320];
	v17 =	vadd.f32 v17, v25;
	v46 =	vadd.f32 v63, v62;
	v63 =	vmul.f32 v29, v9  }
0x11b: {  	[tilespmem:s12+$0x8350] =	vst v56;
	v56 =	vld [tilespmem:s3+$0x230];
	v0 =	vadd.f32 v59, v58;
	v62 =	vmul.f32 v29, v10  }
0x11c: {  	[tilespmem:s12+$0x8360] =	vst v17;
	v17 =	vadd.f32 v60, v15;
	v25 =	vadd.f32 v63, v42;
	v63 =	vld [tilespmem:s3+$0x240]  }
0x11d: {  	v54 =	vmul.f32 v29, v11;
	v60 =	vadd.f32 v50, v40;
	v62 =	vadd.f32 v62, v2;
	v40 =	vld [tilespmem:s3+$0x8350]  }
0x11e: {  	v50 =	vld [tilespmem:s3+$0x260]  }
0x11f: {  	s2 =	sshll.u32 s2, $0x7;
	[tilespmem:s12+$0x8370] =	vst v0;
	v0 =	vadd.f32 v60, v62;
	v60 =	vadd.f32 v54, v5;
	v54 =	vld [tilespmem:s3+$0x270]  }
0x120: {  	s15 =	sshll.u32 s0, $0x7;
	v48 =	vmul.f32 v29, v12;
	v17 =	vadd.f32 v46, v17;
	v59 =	vadd.f32 v56, v49;
	v56 =	vld [tilespmem:s2+$0x8300]  }
0x121: {  	v28 =	vadd.f32 v55, v28;
	v49 =	vld [tilespmem:s15+$0x8300]  }
0x122: {  	[tilespmem:s3+$0x8300] =	vst v17;
	v17 =	vadd.f32 v48, v4;
	v48 =	vld [tilespmem:s3+$0x250]  }
0x123: {  	v51 =	vmul.f32 v29, v14;
	v58 =	vadd.f32 v28, v25;
	v28 =	vld [tilespmem:s3+$0x8360]  }
0x124: {  	v53 =	vmul.f32 v29, v3;
	v29 =	vmul.f32 v29, v13;
	v25 =	vld [tilespmem:s2+$0x8320]  }
0x125: {  	v62 =	vadd.f32 v59, v17;
	v17 =	vadd.f32 v63, v47;
	v63 =	vld [tilespmem:s3+$0x8370]  }
0x126: {  	v29 =	vadd.f32 v29, v6;
	[tilespmem:s3+$0x8320] =	vst v58;
	v58 =	vadd.f32 v51, v7;
	v59 =	vld [tilespmem:s2+$0x200]  }
0x127: {  	v51 =	vld [tilespmem:s2+$0x8350];
	v55 =	vadd.f32 v17, v60;
	v17 =	vadd.f32 v48, v40  }
0x128: {  	v47 =	vadd.f32 v37, v4;
	v37 =	vadd.f32 v33, v8;
	v33 =	vld [tilespmem:s29+$0x8300]  }
0x129: {  	v60 =	vadd.f32 v17, v29;
	v17 =	vadd.f32 v50, v28;
	v28 =	vld [tilespmem:s2+$0x8310]  }
0x12a: {  	v29 =	vld [tilespmem:s2+$0x210]  }
0x12b: {  	v45 =	vmul.f32 v38, v1;
	[tilespmem:s3+$0x8330] =	vst v62;
	v62 =	vadd.f32 v17, v58;
	v17 =	vadd.f32 v54, v63;
	v54 =	vld [tilespmem:s2+$0x220]  }
0x12c: {  	[tilespmem:s3+$0x8340] =	vst v55;
	v63 =	vadd.f32 v53, v8;
	v58 =	vld [tilespmem:s2+$0x8330]  }
0x12d: {  	v55 =	vadd.f32 v59, v56;
	v56 =	vadd.f32 v45, v15;
	[tilespmem:s3+$0x8350] =	vst v60;
	v53 =	vmul.f32 v38, v10;
	v60 =	vld [tilespmem:s2+$0x230]  }
0x12e: {  	v44 =	vmul.f32 v38, v9;
	[tilespmem:s3+$0x8310] =	vst v0;
	v48 =	vld [tilespmem:s2+$0x240];
	v17 =	vadd.f32 v17, v63  }
0x12f: {  	v0 =	vadd.f32 v55, v56;
	[tilespmem:s3+$0x8360] =	vst v62;
	v59 =	vadd.f32 v53, v2;
	v62 =	vld [tilespmem:s2+$0x8340];
	v63 =	vmul.f32 v38, v12  }
0x130: {  	v45 =	vld [tilespmem:s15+$0x240];
	[tilespmem:s3+$0x8370] =	vst v17;
	v17 =	vadd.f32 v44, v42;
	v25 =	vadd.f32 v54, v25  }
0x131: {  	v43 =	vmul.f32 v38, v11;
	v53 =	vld [tilespmem:s2+$0x250];
	v28 =	vadd.f32 v29, v28;
	v40 =	vadd.f32 v63, v4  }
0x132: {  	v55 =	vld [tilespmem:s2+$0x8360];
	v54 =	vadd.f32 v25, v17;
	v17 =	vadd.f32 v60, v58  }
0x133: {  	v43 =	vadd.f32 v43, v5;
	v56 =	vmul.f32 v38, v13;
	v50 =	vadd.f32 v28, v59;
	v58 =	vld [tilespmem:s2+$0x260]  }
0x134: {  	v63 =	vld [tilespmem:s2+$0x270];
	v59 =	vadd.f32 v17, v40;
	v17 =	vadd.f32 v48, v62  }
0x135: {  	v16 =	vmul.f32 v38, v14;
	v60 =	vld [tilespmem:s2+$0x8370];
	v62 =	vadd.f32 v56, v6  }
0x136: {  	[tilespmem:s2+$0x8310] =	vst v50;
	v50 =	vld [tilespmem:s15+$0x200];
	v48 =	vadd.f32 v17, v43;
	v17 =	vadd.f32 v53, v51  }
0x137: {  	s31 =	sshll.u32 s31, $0x7;
	v16 =	vadd.f32 v16, v7;
	v38 =	vmul.f32 v38, v3;
	[tilespmem:s2+$0x8320] =	vst v54;
	v54 =	vld [tilespmem:s15+$0x210]  }
0x138: {  	v40 =	vld [tilespmem:s31+$0x8320];
	v51 =	vadd.f32 v17, v62;
	v17 =	vadd.f32 v58, v55  }
0x139: {  	v38 =	vadd.f32 v38, v8;
	v53 =	vld [tilespmem:s15+$0x8310]  }
0x13a: {  	v58 =	vld [tilespmem:s15+$0x220];
	v55 =	vadd.f32 v17, v16;
	v16 =	vadd.f32 v63, v60  }
0x13b: {  	v56 =	vadd.f32 v41, v15;
	v17 =	vld [tilespmem:s15+$0x8320]  }
0x13c: {  	[tilespmem:s2+$0x8330] =	vst v59;
	v62 =	vld [tilespmem:s15+$0x230];
	v59 =	vadd.f32 v16, v38;
	v16 =	vadd.f32 v50, v49  }
0x13d: {  	v30 =	vadd.f32 v30, v2;
	v60 =	vld [tilespmem:s15+$0x8330]  }
0x13e: {  	v43 =	vld [tilespmem:s15+$0x8340];
	[tilespmem:s2+$0x8340] =	vst v48;
	v63 =	vadd.f32 v16, v56;
	v16 =	vadd.f32 v54, v53  }
0x13f: {  	v44 =	vadd.f32 v39, v42;
	v48 =	vld [tilespmem:s15+$0x250];
	[tilespmem:s2+$0x8350] =	vst v51;
	v51 =	vadd.f32 v36, v5  }
0x140: {  	v36 =	vld [tilespmem:s31+$0x8310];
	v46 =	vadd.f32 v16, v30;
	v16 =	vadd.f32 v58, v17  }
0x141: {  	v17 =	vld [tilespmem:s15+$0x8350]  }
0x142: {  	v50 =	vld [tilespmem:s15+$0x8360];
	v49 =	vadd.f32 v16, v44;
	v16 =	vadd.f32 v62, v60  }
0x143: {  	v53 =	vld [tilespmem:s15+$0x260]  }
0x144: {  	[tilespmem:s2+$0x8360] =	vst v55;
	v55 =	vld [tilespmem:s15+$0x8370];
	v54 =	vadd.f32 v16, v47;
	v16 =	vadd.f32 v45, v43  }
0x145: {  	v56 =	vadd.f32 v35, v6;
	v58 =	vld [tilespmem:s15+$0x270]  }
0x146: {  	[tilespmem:s2+$0x8370] =	vst v59;
	v62 =	vld [tilespmem:s31+$0x200];
	v59 =	vadd.f32 v16, v51;
	v16 =	vadd.f32 v48, v17  }
0x147: {  	v60 =	vadd.f32 v34, v7;
	v17 =	vld [tilespmem:s31+$0x8300]  }
0x148: {  	v38 =	vld [tilespmem:s31+$0x210];
	[tilespmem:s15+$0x8300] =	vst v63;
	v63 =	vadd.f32 v16, v56;
	v16 =	vadd.f32 v53, v50  }
0x149: {  	v35 =	vld [tilespmem:s29+$0x200]  }
0x14a: {  	[tilespmem:s15+$0x8310] =	vst v46;
	v46 =	vld [tilespmem:s31+$0x230];
	v39 =	vadd.f32 v16, v60;
	v16 =	vadd.f32 v58, v55  }
0x14b: {  	v41 =	vadd.f32 v32, v15;
	v43 =	vld [tilespmem:s31+$0x220]  }
0x14c: {  	[tilespmem:s15+$0x8320] =	vst v49;
	v49 =	vld [tilespmem:s31+$0x240];
	v44 =	vadd.f32 v16, v37;
	v16 =	vadd.f32 v62, v17  }
0x14d: {  	v45 =	vadd.f32 v31, v2;
	v17 =	vld [tilespmem:s31+$0x8330]  }
0x14e: {  	v48 =	vld [tilespmem:s31+$0x8340];
	v47 =	vadd.f32 v16, v41;
	v16 =	vadd.f32 v38, v36  }
0x14f: {  	v24 =	vadd.f32 v24, v42;
	v51 =	vld [tilespmem:s31+$0x8350]  }
0x150: {  	v60 =	vld [tilespmem:$0x1FF10];
	v50 =	vadd.f32 v16, v45;
	v16 =	vadd.f32 v43, v40  }
0x151: {  	v27 =	vadd.f32 v27, v4;
	v53 =	vld [tilespmem:s31+$0x250]  }
0x152: {  	[tilespmem:s15+$0x8330] =	vst v54;
	v56 =	vld [tilespmem:s31+$0x260];
	v54 =	vadd.f32 v16, v24;
	v16 =	vadd.f32 v46, v17  }
0x153: {  	v55 =	vadd.f32 v26, v5;
	v17 =	vld [tilespmem:s31+$0x8360]  }
0x154: {  	[tilespmem:s15+$0x8340] =	vst v59;
	v59 =	vld [tilespmem:s31+$0x8370];
	v58 =	vadd.f32 v16, v27;
	v16 =	vadd.f32 v49, v48  }
0x155: {  	[tilespmem:s15+$0x8350] =	vst v63;
	v63 =	vld [tilespmem:s31+$0x270];
	v62 =	vadd.f32 v60, v6  }
0x156: {  	v36 =	vld [tilespmem:s29+$0x8310];
	v34 =	vadd.f32 v16, v55;
	v16 =	vadd.f32 v53, v51  }
0x157: {  	v22 =	vadd.f32 v22, v7;
	v38 =	vld [tilespmem:s29+$0x8320]  }
0x158: {  	v37 =	vadd.f32 v16, v62;
	v16 =	vadd.f32 v56, v17;
	v17 =	vld [tilespmem:s29+$0x210]  }
0x159: {  	v20 =	vadd.f32 v20, v8;
	[tilespmem:s11+$0x8300] =	vst v19;
	v41 =	vld [tilespmem:s29+$0x220]  }
0x15a: {  	v52 =	vmul.f32 v18, v1;
	[tilespmem:s15+$0x8360] =	vst v39;
	v43 =	vld [tilespmem:s29+$0x8330];
	v39 =	vadd.f32 v16, v22;
	v16 =	vadd.f32 v63, v59  }
0x15b: {  	v57 =	vmul.f32 v18, v10;
	[tilespmem:s31+$0x8300] =	vst v47;
	v47 =	vld [tilespmem:s29+$0x8340]  }
0x15c: {  	v23 =	vmul.f32 v18, v11;
	[tilespmem:s15+$0x8370] =	vst v44;
	v40 =	vadd.f32 v52, v15;
	v46 =	vld [tilespmem:s29+$0x230];
	v44 =	vadd.f32 v16, v20  }
0x15d: {  	[tilespmem:s2+$0x8300] =	vst v0;
	v52 =	vld [tilespmem:s29+$0x250];
	v16 =	vadd.f32 v57, v2;
	v17 =	vadd.f32 v17, v36  }
0x15e: {  	v23 =	vadd.f32 v23, v5;
	v45 =	vmul.f32 v18, v9;
	[tilespmem:s31+$0x8310] =	vst v50;
	v49 =	vld [tilespmem:s29+$0x240]  }
0x15f: {  	v61 =	vmul.f32 v18, v12;
	v24 =	vadd.f32 v35, v33;
	v50 =	vld [tilespmem:s29+$0x8350];
	[tilespmem:s31+$0x8320] =	vst v54;
	v16 =	vadd.f32 v17, v16  }
0x160: {  	v48 =	vadd.f32 v45, v42;
	v54 =	vld [tilespmem:s29+$0x260];
	[tilespmem:s31+$0x8330] =	vst v58;
	v17 =	vadd.f32 v41, v38  }
0x161: {  	v51 =	vadd.f32 v61, v4;
	v61 =	vld [tilespmem:$0x1FF20];
	[tilespmem:s29+$0x8310] =	vst v16;
	v16 =	vadd.f32 v46, v43  }
0x162: {  	v53 =	vmul.f32 v18, v13;
	[tilespmem:s31+$0x8340] =	vst v34;
	v22 =	vadd.f32 v24, v40;
	v0 =	vadd.f32 v17, v48;
	v17 =	vld [tilespmem:s29+$0x8360]  }
0x163: {  	v56 =	vld [tilespmem:s29+$0x8370];
	[tilespmem:s31+$0x8350] =	vst v37;
	v55 =	vadd.f32 v16, v51;
	v16 =	vadd.f32 v49, v47  }
0x164: {  	v19 =	vmul.f32 v18, v14;
	v58 =	vld [tilespmem:s28+$0x8300];
	[tilespmem:s31+$0x8360] =	vst v39;
	v57 =	vadd.f32 v53, v6  }
0x165: {  	v63 =	vld [tilespmem:$0x1FF30];
	[tilespmem:s29+$0x8300] =	vst v22;
	v59 =	vadd.f32 v16, v23;
	v16 =	vadd.f32 v52, v50  }
0x166: {  	v19 =	vadd.f32 v19, v7;
	v18 =	vmul.f32 v18, v3;
	[tilespmem:s31+$0x8370] =	vst v44  }
0x167: {  	[tilespmem:s29+$0x8320] =	vst v0;
	v60 =	vadd.f32 v16, v57;
	v16 =	vadd.f32 v54, v17  }
.Ltmp0:
0x168: {  	v18 =	vadd.f32 v18, v8;
	[tilespmem:s29+$0x8330] =	vst v55;
	v17 =	vadd.f32 v61, v56;
	(pc) =	sbr.rel @p0 .LBB2_2-.Ltmp0, $4  }
0x169: {  	v21 =	vadd.f32 v21, v15;
	[tilespmem:s29+$0x8340] =	vst v59;
	v62 =	vadd.f32 v16, v19  }
0x16a: {  	[tilespmem:s29+$0x8350] =	vst v60;
	v16 =	vadd.f32 v63, v58;
	v17 =	vadd.f32 v17, v18  }
0x16b: {  	[tilespmem:s29+$0x8360] =	vst v62  }
0x16c: {  	s0 =	smov.u32 s30;
	v16 =	vadd.f32 v16, v21;
	[tilespmem:s29+$0x8370] =	vst v17  }
0x16d: {  	_ = 	snop  }
0x16e: {  	[tilespmem:s28+$0x8300] =	vst v16  }
0x16f: {  	[hbm4b:s8+s4] =	stream.linear.scatter [tilespmem:s17], [sflag:$0x3], $0x4000, $0x38;
	[tilespmem:$0x10300] =	vst v63  }
0x170: {  	s29 =	simm.s32 $0x80;
	_ =	swait.ge [sflag:s23], $0x4000  }
0x171: {  	s2 =	sor.u32 $0x1, s29;
	[sflag:s23] =	ssyncset.done $0x0  }
0x172: {  	s28 =	sshll.u32 s2, $0x7;
	[sflag:s23] =	ssyncadd.s32 $0xFFFFC000  }
0x173: {  	v0 =	vld [tilespmem:s28+$0x200]  }
0x174: {  	v11 =	vld [tilespmem:$0x1FFA0]  }
0x175: {  	v3 =	vld [tilespmem:$0x1FFC0]  }
0x176: {  	v15 =	vld [tilespmem:$0x1FFF0]  }
0x177: {  	s0 =	sand.u32 $0xF0, s29;
	v13 =	vld [tilespmem:$0x1FFB0]  }
0x178: {  	v18 =	vld [tilespmem:s0+$0x100];
	[tilespmem:$0x1FF00] =	vst v0  }
0x179: {  	v17 =	vld [tilespmem:s28+$0x8310]  }
0x17a: {  	v19 =	vld [tilespmem:s28+$0x210]  }
0x17b: {  	v20 =	vld [tilespmem:s28+$0x8320]  }
0x17c: {  	v21 =	vld [tilespmem:s28+$0x220]  }
0x17d: {  	v22 =	vld [tilespmem:s28+$0x8330]  }
0x17e: {  	v23 =	vld [tilespmem:s28+$0x230]  }
0x17f: {  	v24 =	vld [tilespmem:s28+$0x8340]  }
0x180: {  	v25 =	vld [tilespmem:s28+$0x240]  }
0x181: {  	v26 =	vld [tilespmem:s28+$0x8350]  }
0x182: {  	v27 =	vld [tilespmem:s28+$0x250]  }
0x183: {  	v28 =	vld [tilespmem:s28+$0x8360]  }
0x184: {  	v29 =	vld [tilespmem:s28+$0x260]  }
0x185: {  	s11 =	sor.u32 $0x2, s29;
	v30 =	vld [tilespmem:s28+$0x8370]  }
0x186: {  	s3 =	sshll.u32 s11, $0x7;
	v31 =	vld [tilespmem:s28+$0x270]  }
0x187: {  	v32 =	vld [tilespmem:s3+$0x8300]  }
0x188: {  	v33 =	vld [tilespmem:s3+$0x200]  }
0x189: {  	v34 =	vld [tilespmem:s3+$0x8310]  }
0x18a: {  	v35 =	vld [tilespmem:s3+$0x210]  }
0x18b: {  	v36 =	vld [tilespmem:s3+$0x8320]  }
0x18c: {  	v37 =	vld [tilespmem:s3+$0x220]  }
0x18d: {  	v38 =	vld [tilespmem:s3+$0x8330]  }
0x18e: {  	v39 =	vld [tilespmem:s3+$0x230]  }
0x18f: {  	v40 =	vld [tilespmem:s3+$0x8340]  }
0x190: {  	v16 =	vld [tilespmem:s3+$0x240]  }
0x191: {  	v43 =	vld [tilespmem:s3+$0x8350]  }
0x192: {  	v44 =	vld [tilespmem:s3+$0x250]  }
0x193: {  	v45 =	vld [tilespmem:s3+$0x8360]  }
0x194: {  	s2 =	sand.u32 $0x9, s2;
	v46 =	vld [tilespmem:s3+$0x260]  }
0x195: {  	s12 =	sor.u32 $0x3, s29;
	v61 =	vmov s2;
	v47 =	vld [tilespmem:s3+$0x8370]  }
0x196: {  	s0 =	sshll.u32 s12, $0x7;
	v41 =	vperm.xlane v18, v61;
	v48 =	vld [tilespmem:s3+$0x270]  }
0x197: {  	v62 =	vld [tilespmem:s0+$0x8320]  }
0x198: {  	v49 =	vld [tilespmem:s0+$0x8300];
	v56 =	vmul.f32 v41, v12  }
0x199: {  	v50 =	vld [tilespmem:s0+$0x200]  }
0x19a: {  	v51 =	vld [tilespmem:s0+$0x8310];
	v1 =	vadd.f32 v56, v4;
	v22 =	vadd.f32 v23, v22  }
0x19b: {  	v52 =	vld [tilespmem:s0+$0x210];
	v63 =	vadd.f32 v19, v17  }
0x19c: {  	[tilespmem:$0x1FE50] =	vst v62;
	v20 =	vadd.f32 v21, v20;
	v21 =	vadd.f32 v22, v1;
	v1 =	vld [tilespmem:$0x1FFD0]  }
0x19d: {  	s30 =	sand.u32 $0xA, s11;
	v55 =	vld [tilespmem:s0+$0x220];
	[tilespmem:$0x1FE60] =	vst v63  }
0x19e: {  	v2 =	vmov s30;
	v57 =	vld [tilespmem:s0+$0x8330]  }
0x19f: {  	v24 =	vadd.f32 v25, v24;
	v25 =	vperm.xlane v18, v2;
	v53 =	vld [tilespmem:s0+$0x230]  }
0x1a0: {  	v22 =	vmul.f32 v41, v3;
	v59 =	vld [tilespmem:s0+$0x8340]  }
0x1a1: {  	v23 =	vadd.f32 v27, v26;
	v28 =	vadd.f32 v29, v28;
	v56 =	vld [tilespmem:s0+$0x240];
	[tilespmem:$0x1FE70] =	vst v21;
	v21 =	vmul.f32 v25, v1  }
0x1a2: {  	v10 =	vld [tilespmem:$0x1FF80];
	v58 =	vmul.f32 v41, v14;
	v30 =	vadd.f32 v31, v30;
	v26 =	vadd.f32 v22, v8  }
0x1a3: {  	v32 =	vadd.f32 v33, v32;
	v27 =	vld [tilespmem:s0+$0x8350];
	v22 =	vadd.f32 v21, v15  }
0x1a4: {  	v29 =	vadd.f32 v58, v7;
	v60 =	vld [tilespmem:s0+$0x250];
	v21 =	vadd.f32 v30, v26  }
0x1a5: {  	v31 =	vld [tilespmem:s0+$0x8360];
	v22 =	vadd.f32 v32, v22  }
0x1a6: {  	v28 =	vadd.f32 v28, v29;
	v29 =	vmul.f32 v41, v13;
	v58 =	vld [tilespmem:s0+$0x260];
	[tilespmem:$0x1FE80] =	vst v21  }
0x1a7: {  	s31 =	sor.u32 $0x4, s29;
	v54 =	vmul.f32 v41, v9;
	v30 =	vld [tilespmem:s0+$0x8370];
	[tilespmem:$0x1FE90] =	vst v22  }
0x1a8: {  	s2 =	sshll.u32 s31, $0x7;
	v29 =	vadd.f32 v29, v6;
	v33 =	vld [tilespmem:s0+$0x270]  }
0x1a9: {  	v54 =	vadd.f32 v54, v42;
	v34 =	vadd.f32 v35, v34;
	v35 =	vld [tilespmem:s2+$0x8300]  }
0x1aa: {  	v36 =	vadd.f32 v37, v36;
	v23 =	vadd.f32 v23, v29;
	v37 =	vld [tilespmem:s2+$0x200]  }
0x1ab: {  	s12 =	sand.u32 $0xB, s12;
	v19 =	vmul.f32 v41, v11;
	v38 =	vadd.f32 v39, v38;
	v63 =	vmul.f32 v25, v12;
	v21 =	vld [tilespmem:s2+$0x8310]  }
0x1ac: {  	v43 =	vadd.f32 v44, v43;
	v32 =	vmul.f32 v25, v11;
	v39 =	vld [tilespmem:s2+$0x210];
	[tilespmem:$0x1FEA0] =	vst v23;
	v23 =	vmov s12  }
0x1ad: {  	v19 =	vadd.f32 v19, v5;
	v26 =	vadd.f32 v63, v4;
	v44 =	vperm.xlane v18, v23  }
0x1ae: {  	v2 =	vld [tilespmem:$0x1FF90];
	v40 =	vadd.f32 v16, v40;
	v62 =	vmul.f32 v25, v9;
	v29 =	vadd.f32 v32, v5  }
0x1af: {  	v26 =	vadd.f32 v38, v26;
	v38 =	vadd.f32 v24, v19;
	v24 =	vmul.f32 v44, v1  }
0x1b0: {  	v62 =	vadd.f32 v62, v42;
	v29 =	vadd.f32 v40, v29  }
0x1b1: {  	v61 =	vmul.f32 v25, v10;
	v40 =	vadd.f32 v24, v15;
	v24 =	vadd.f32 v20, v54;
	v20 =	vld [tilespmem:$0x1FE50]  }
0x1b2: {  	v45 =	vadd.f32 v46, v45;
	v36 =	vadd.f32 v36, v62;
	v62 =	vmul.f32 v25, v13;
	v63 =	vld [tilespmem:s2+$0x8320];
	[tilespmem:$0x1FEB0] =	vst v26  }
0x1b3: {  	v61 =	vadd.f32 v61, v2;
	v32 =	vmul.f32 v25, v14;
	v25 =	vmul.f32 v25, v3;
	v22 =	vld [tilespmem:s2+$0x220];
	[tilespmem:$0x1FEC0] =	vst v38  }
0x1b4: {  	v47 =	vadd.f32 v48, v47;
	v0 =	vadd.f32 v62, v6;
	v62 =	vld [tilespmem:s2+$0x8330];
	v23 =	vmul.f32 v44, v9  }
0x1b5: {  	v34 =	vadd.f32 v34, v61;
	v25 =	vadd.f32 v25, v8;
	v19 =	vld [tilespmem:s2+$0x230]  }
0x1b6: {  	v46 =	vld [tilespmem:s2+$0x8340];
	v38 =	vmul.f32 v44, v10;
	v17 =	vadd.f32 v23, v42;
	v55 =	vadd.f32 v55, v20  }
0x1b7: {  	v61 =	vadd.f32 v32, v7;
	v48 =	vld [tilespmem:s2+$0x240];
	v26 =	vadd.f32 v47, v25  }
0x1b8: {  	v47 =	vadd.f32 v38, v2;
	v38 =	vmul.f32 v44, v12;
	v25 =	vadd.f32 v55, v17;
	v17 =	vld [tilespmem:$0x1FE60]  }
0x1b9: {  	v16 =	vmul.f32 v41, v10;
	v53 =	vadd.f32 v53, v57;
	v32 =	vadd.f32 v43, v0;
	v43 =	vld [tilespmem:s2+$0x8350];
	[tilespmem:$0x1FED0] =	vst v26  }
0x1ba: {  	v45 =	vadd.f32 v45, v61;
	v61 =	vld [tilespmem:s2+$0x250];
	v54 =	vadd.f32 v38, v4  }
0x1bb: {  	s14 =	sor.u32 $0x5, s29;
	v49 =	vadd.f32 v50, v49;
	v16 =	vadd.f32 v16, v2;
	v50 =	vld [tilespmem:s2+$0x8360]  }
0x1bc: {  	s11 =	sand.u32 $0xC, s31;
	s30 =	sshll.u32 s14, $0x7;
	v51 =	vadd.f32 v52, v51;
	v52 =	vld [tilespmem:s2+$0x260];
	v26 =	vadd.f32 v53, v54  }
0x1bd: {  	v57 =	vld [tilespmem:s30+$0x200];
	v53 =	vmov s11;
	v38 =	vadd.f32 v17, v16;
	v16 =	vmul.f32 v44, v13  }
0x1be: {  	v27 =	vadd.f32 v60, v27;
	v40 =	vadd.f32 v49, v40;
	v49 =	vld [tilespmem:s2+$0x8370];
	v0 =	vperm.xlane v18, v53  }
0x1bf: {  	v47 =	vadd.f32 v51, v47;
	v51 =	vld [tilespmem:s2+$0x270];
	v16 =	vadd.f32 v16, v6  }
0x1c0: {  	v20 =	vld [tilespmem:s30+$0x8300];
	v53 =	vmul.f32 v0, v1  }
0x1c1: {  	v55 =	vld [tilespmem:s30+$0x8310];
	[tilespmem:$0x1FEE0] =	vst v26;
	v26 =	vadd.f32 v27, v16  }
0x1c2: {  	v27 =	vadd.f32 v58, v31;
	v31 =	vadd.f32 v53, v15;
	v53 =	vld [tilespmem:$0x1FE70];
	_ =	sdelay $0x3  }
0x1c3: {  	[tilespmem:s28+$0x8360] =	vst v28  }
0x1c4: {  	[tilespmem:s28+$0x8330] =	vst v53  }
0x1c5: {  	v53 =	vld [tilespmem:$0x1FE80];
	_ =	sdelay $0x4  }
0x1c6: {  	[tilespmem:s28+$0x8370] =	vst v53  }
0x1c7: {  	v53 =	vld [tilespmem:$0x1FE90]  }
0x1c8: {  	v23 =	vmul.f32 v44, v11;
	_ =	sdelay $0x1  }
0x1c9: {  	v56 =	vadd.f32 v56, v59;
	v59 =	vmul.f32 v44, v14;
	v54 =	vld [tilespmem:s30+$0x210];
	v17 =	vadd.f32 v23, v5  }
0x1ca: {  	v35 =	vadd.f32 v37, v35;
	v60 =	vld [tilespmem:s30+$0x220];
	[tilespmem:s3+$0x8310] =	vst v34  }
0x1cb: {  	v37 =	vld [tilespmem:s30+$0x240];
	v17 =	vadd.f32 v56, v17;
	v56 =	vadd.f32 v59, v7;
	[tilespmem:s3+$0x8300] =	vst v53;
	v53 =	vmul.f32 v0, v11  }
0x1cc: {  	v21 =	vadd.f32 v39, v21;
	v39 =	vld [tilespmem:s30+$0x8350];
	[tilespmem:s3+$0x8320] =	vst v36  }
0x1cd: {  	v27 =	vadd.f32 v27, v56;
	v56 =	vadd.f32 v53, v5;
	v53 =	vld [tilespmem:$0x1FEA0]  }
0x1ce: {  	v22 =	vadd.f32 v22, v63;
	v63 =	vld [tilespmem:s30+$0x260]  }
0x1cf: {  	s15 =	sor.u32 $0x6, s29;
	v19 =	vadd.f32 v19, v62;
	v62 =	vld [tilespmem:s30+$0x8370]  }
0x1d0: {  	s31 =	sshll.u32 s15, $0x7;
	v30 =	vadd.f32 v33, v30;
	v46 =	vadd.f32 v48, v46;
	v33 =	vmul.f32 v0, v10;
	v48 =	vld [tilespmem:s30+$0x270]  }
0x1d1: {  	v43 =	vadd.f32 v61, v43;
	v61 =	vld [tilespmem:s31+$0x8300]  }
0x1d2: {  	v50 =	vadd.f32 v52, v50;
	v52 =	vld [tilespmem:s31+$0x210];
	v33 =	vadd.f32 v33, v2;
	[tilespmem:s28+$0x8350] =	vst v53  }
0x1d3: {  	v53 =	vld [tilespmem:$0x1FEB0]  }
0x1d4: {  	v21 =	vadd.f32 v21, v33;
	v33 =	vld [tilespmem:s30+$0x8360];
	v44 =	vmul.f32 v44, v3  }
0x1d5: {  	v23 =	vld [tilespmem:s30+$0x8320]  }
0x1d6: {  	v54 =	vadd.f32 v54, v55;
	v55 =	vld [tilespmem:s31+$0x8330];
	v44 =	vadd.f32 v44, v8  }
0x1d7: {  	v16 =	vld [tilespmem:s30+$0x8340]  }
0x1d8: {  	v28 =	vadd.f32 v30, v44;
	v44 =	vld [tilespmem:s30+$0x250];
	[tilespmem:s3+$0x8330] =	vst v53  }
0x1d9: {  	v20 =	vadd.f32 v57, v20;
	v30 =	vmul.f32 v0, v9;
	v53 =	vld [tilespmem:$0x1FEC0]  }
0x1da: {  	v59 =	vld [tilespmem:s30+$0x8330];
	v33 =	vadd.f32 v63, v33;
	v31 =	vadd.f32 v35, v31;
	v35 =	vmul.f32 v0, v12  }
0x1db: {  	v58 =	vld [tilespmem:s30+$0x230];
	v23 =	vadd.f32 v60, v23;
	v30 =	vadd.f32 v30, v42;
	[tilespmem:s3+$0x8340] =	vst v29  }
0x1dc: {  	s12 =	sand.u32 $0xD, s14;
	v16 =	vadd.f32 v37, v16;
	v37 =	vld [tilespmem:s31+$0x250];
	v34 =	vadd.f32 v35, v4;
	[tilespmem:s3+$0x8350] =	vst v32  }
0x1dd: {  	v39 =	vadd.f32 v44, v39;
	v44 =	vld [tilespmem:s31+$0x8360];
	v35 =	vmul.f32 v0, v13;
	v36 =	vmov s12;
	[tilespmem:s3+$0x8360] =	vst v45  }
0x1de: {  	v22 =	vadd.f32 v22, v30;
	v36 =	vperm.xlane v18, v36;
	v19 =	vadd.f32 v19, v34;
	v34 =	vld [tilespmem:s31+$0x200];
	[tilespmem:s28+$0x8340] =	vst v53  }
0x1df: {  	v30 =	vmul.f32 v0, v14;
	v35 =	vadd.f32 v35, v6;
	v0 =	vmul.f32 v0, v3;
	v53 =	vld [tilespmem:$0x1FED0];
	[tilespmem:s28+$0x8320] =	vst v24  }
0x1e0: {  	v46 =	vadd.f32 v46, v56;
	v56 =	vmul.f32 v36, v10;
	v32 =	vadd.f32 v51, v49;
	v51 =	vld [tilespmem:s31+$0x8320];
	[tilespmem:s0+$0x8300] =	vst v40  }
0x1e1: {  	v30 =	vadd.f32 v30, v7;
	v0 =	vadd.f32 v0, v8;
	v29 =	vmul.f32 v36, v1;
	v45 =	vld [tilespmem:s31+$0x220];
	[tilespmem:s0+$0x8310] =	vst v47  }
0x1e2: {  	s11 =	sand.u32 $0xE, s15;
	v35 =	vadd.f32 v43, v35;
	v43 =	vld [tilespmem:s31+$0x8310];
	v49 =	vadd.f32 v56, v2;
	[tilespmem:s0+$0x8320] =	vst v25  }
0x1e3: {  	v60 =	vmov s11;
	v29 =	vadd.f32 v29, v15;
	v0 =	vadd.f32 v32, v0;
	v32 =	vld [tilespmem:s31+$0x230];
	[tilespmem:s28+$0x8310] =	vst v38  }
0x1e4: {  	v57 =	vmul.f32 v36, v12;
	v56 =	vmul.f32 v36, v9;
	v40 =	vadd.f32 v54, v49;
	v49 =	vld [tilespmem:s31+$0x8340];
	[tilespmem:s3+$0x8370] =	vst v53  }
0x1e5: {  	v20 =	vadd.f32 v20, v29;
	v29 =	vadd.f32 v58, v59;
	v58 =	vmul.f32 v36, v14;
	v53 =	vld [tilespmem:$0x1FEE0];
	[tilespmem:s0+$0x8340] =	vst v17  }
0x1e6: {  	v45 =	vadd.f32 v45, v51;
	v24 =	vadd.f32 v50, v30;
	v47 =	vmul.f32 v36, v11;
	v50 =	vld [tilespmem:s31+$0x240];
	[tilespmem:s0+$0x8350] =	vst v26  }
0x1e7: {  	v30 =	vadd.f32 v56, v42;
	v25 =	vadd.f32 v57, v4;
	v54 =	vmul.f32 v36, v13;
	v56 =	vld [tilespmem:s31+$0x8350];
	[tilespmem:s0+$0x8360] =	vst v27  }
0x1e8: {  	s12 =	sor.u32 $0x7, s29;
	v59 =	vmul.f32 v36, v3;
	v36 =	vld [tilespmem:s31+$0x8370];
	v32 =	vadd.f32 v32, v55;
	v47 =	vadd.f32 v47, v5;
	[tilespmem:s0+$0x8370] =	vst v28  }
0x1e9: {  	s14 =	sshll.u32 s12, $0x7;
	v38 =	vperm.xlane v18, v60;
	v57 =	vadd.f32 v54, v6;
	v25 =	vadd.f32 v29, v25;
	v29 =	vld [tilespmem:s31+$0x260];
	[tilespmem:s2+$0x8300] =	vst v31  }
0x1ea: {  	v54 =	vadd.f32 v34, v61;
	v34 =	vld [tilespmem:s14+$0x200];
	v16 =	vadd.f32 v16, v47;
	[tilespmem:s2+$0x8310] =	vst v21  }
0x1eb: {  	v60 =	vmul.f32 v38, v1;
	v47 =	vld [tilespmem:s14+$0x8330];
	v49 =	vadd.f32 v50, v49;
	v17 =	vadd.f32 v23, v30;
	[tilespmem:s2+$0x8320] =	vst v22  }
0x1ec: {  	v63 =	vmul.f32 v38, v10;
	v50 =	vld [tilespmem:s14+$0x230];
	v30 =	vadd.f32 v39, v57;
	v23 =	vadd.f32 v58, v7;
	[tilespmem:s2+$0x8330] =	vst v19  }
0x1ed: {  	v61 =	vmul.f32 v38, v11;
	v39 =	vld [tilespmem:s31+$0x270];
	v26 =	vadd.f32 v59, v8;
	v27 =	vadd.f32 v60, v15;
	[tilespmem:s2+$0x8340] =	vst v46  }
0x1ee: {  	v55 =	vmul.f32 v38, v14;
	v57 =	vadd.f32 v63, v2;
	v58 =	vadd.f32 v52, v43;
	v43 =	vld [tilespmem:s14+$0x8310];
	[tilespmem:s2+$0x8350] =	vst v35  }
0x1ef: {  	v59 =	vmul.f32 v38, v9;
	v28 =	vld [tilespmem:s14+$0x8320];
	[tilespmem:s2+$0x8360] =	vst v24;
	v31 =	vadd.f32 v61, v5;
	v52 =	vadd.f32 v37, v56  }
0x1f0: {  	v60 =	vmul.f32 v38, v12;
	v46 =	vld [tilespmem:s14+$0x220];
	[tilespmem:s2+$0x8370] =	vst v0;
	v29 =	vadd.f32 v29, v44;
	v22 =	vadd.f32 v33, v23  }
0x1f1: {  	v63 =	vmov s12;
	[tilespmem:s30+$0x8300] =	vst v20;
	v56 =	vld [tilespmem:s14+$0x240];
	v19 =	vadd.f32 v54, v27;
	v23 =	vadd.f32 v59, v42  }
0x1f2: {  	[tilespmem:s30+$0x8310] =	vst v40;
	v0 =	vperm.xlane v18, v63;
	v33 =	vld [tilespmem:s14+$0x210];
	v21 =	vadd.f32 v58, v57;
	v27 =	vadd.f32 v60, v4  }
0x1f3: {  	[tilespmem:s30+$0x8340] =	vst v16;
	v31 =	vadd.f32 v49, v31;
	v57 =	vld [tilespmem:s14+$0x8350];
	v54 =	vadd.f32 v45, v23  }
0x1f4: {  	s15 =	simm.s32 $0x4000;
	[tilespmem:s30+$0x8320] =	vst v17;
	v58 =	vld [tilespmem:s14+$0x250];
	v17 =	vmul.f32 v0, v1;
	v27 =	vadd.f32 v32, v27;
	v23 =	vadd.f32 v55, v7  }
0x1f5: {  	v59 =	vmul.f32 v0, v10;
	v45 =	vld [tilespmem:s15+$0x8300];
	v49 =	vadd.f32 v50, v47;
	[tilespmem:s0+$0x8330] =	vst v53;
	v53 =	vadd.f32 v48, v62  }
0x1f6: {  	[tilespmem:s31+$0x8300] =	vst v19;
	v19 =	vmul.f32 v0, v11;
	v50 =	vld [tilespmem:s15+$0x8310];
	v36 =	vadd.f32 v39, v36;
	v16 =	vadd.f32 v17, v15  }
0x1f7: {  	[tilespmem:s30+$0x8330] =	vst v25;
	v55 =	vld [tilespmem:s15+$0x8320];
	v62 =	vmul.f32 v38, v13;
	v25 =	vadd.f32 v59, v2;
	v28 =	vadd.f32 v46, v28  }
0x1f8: {  	[tilespmem:s30+$0x8350] =	vst v30;
	v48 =	vld [tilespmem:s14+$0x8300];
	v38 =	vmul.f32 v38, v3;
	v61 =	vadd.f32 v29, v23;
	v19 =	vadd.f32 v19, v5  }
0x1f9: {  	[tilespmem:s30+$0x8360] =	vst v22;
	v46 =	vld [tilespmem:s15+$0x200];
	v26 =	vadd.f32 v53, v26;
	v51 =	vadd.f32 v62, v6  }
0x1fa: {  	[tilespmem:s31+$0x8310] =	vst v21;
	v39 =	vld [tilespmem:s14+$0x8360];
	v38 =	vadd.f32 v38, v8;
	v60 =	vadd.f32 v33, v43  }
0x1fb: {  	[tilespmem:s31+$0x8320] =	vst v54;
	v53 =	vld [tilespmem:s14+$0x8340];
	v62 =	vmul.f32 v0, v9;
	v54 =	vadd.f32 v58, v57;
	v24 =	vadd.f32 v52, v51  }
0x1fc: {  	[tilespmem:s31+$0x8340] =	vst v31;
	v57 =	vld [tilespmem:s15+$0x220];
	v63 =	vadd.f32 v36, v38;
	v25 =	vadd.f32 v60, v25  }
0x1fd: {  	v33 =	vld [tilespmem:s14+$0x8370];
	[tilespmem:s30+$0x8370] =	vst v26;
	v23 =	vadd.f32 v62, v42;
	s30 =	sand.u32 $0x8, s29;
	v17 =	vadd.f32 v34, v48  }
0x1fe: {  	[tilespmem:s31+$0x8330] =	vst v27;
	v36 =	vld [tilespmem:s14+$0x270];
	v48 =	vmul.f32 v0, v13;
	v51 =	vmov s30;
	v38 =	vadd.f32 v46, v45  }
0x1ff: {  	[tilespmem:s31+$0x8360] =	vst v61;
	v52 =	vld [tilespmem:s15+$0x210];
	v23 =	vadd.f32 v28, v23;
	v16 =	vadd.f32 v17, v16;
	v17 =	vmul.f32 v0, v12  }
0x200: {  	v34 =	vld [tilespmem:s14+$0x260];
	[tilespmem:s31+$0x8350] =	vst v24;
	v32 =	vadd.f32 v56, v53;
	v53 =	vadd.f32 v48, v6;
	v56 =	vmul.f32 v0, v14  }
0x201: {  	v58 =	vld [tilespmem:s15+$0x8330];
	[tilespmem:s31+$0x8370] =	vst v63;
	v0 =	vmul.f32 v0, v3;
	v27 =	vadd.f32 v57, v55;
	v17 =	vadd.f32 v17, v4  }
0x202: {  	v62 =	vld [tilespmem:s15+$0x230];
	v18 =	vperm.xlane v18, v51;
	[tilespmem:s14+$0x8310] =	vst v25;
	v19 =	vadd.f32 v32, v19;
	v20 =	vadd.f32 v54, v53  }
0x203: {  	v45 =	vld [tilespmem:s15+$0x8350];
	[tilespmem:s14+$0x8320] =	vst v23;
	v60 =	vadd.f32 v56, v7;
	v0 =	vadd.f32 v0, v8  }
0x204: {  	v51 =	vld [tilespmem:s15+$0x8360];
	v59 =	vmul.f32 v18, v1;
	v33 =	vadd.f32 v36, v33;
	[tilespmem:s14+$0x8300] =	vst v16;
	v44 =	vadd.f32 v52, v50  }
0x205: {  	v63 =	vmul.f32 v18, v10;
	v36 =	vld [tilespmem:s15+$0x8340];
	v61 =	vadd.f32 v34, v39;
	v17 =	vadd.f32 v49, v17;
	[tilespmem:s14+$0x8340] =	vst v19  }
0x206: {  	v47 =	vmul.f32 v18, v9;
	v16 =	vadd.f32 v59, v15;
	v39 =	vld [tilespmem:s15+$0x240];
	v0 =	vadd.f32 v33, v0;
	[tilespmem:s14+$0x8350] =	vst v20  }
0x207: {  	v48 =	vld [tilespmem:s15+$0x250];
	v50 =	vmul.f32 v18, v12;
	v21 =	vadd.f32 v62, v58;
	v46 =	vadd.f32 v61, v60;
	[tilespmem:s14+$0x8330] =	vst v17  }
0x208: {  	v54 =	vld [tilespmem:s15+$0x260];
	v40 =	vadd.f32 v63, v2;
	v19 =	vmul.f32 v18, v11;
	v16 =	vadd.f32 v38, v16;
	[tilespmem:s14+$0x8370] =	vst v0  }
0x209: {  	v56 =	vld [tilespmem:s15+$0x8370];
	v24 =	vadd.f32 v47, v42;
	v52 =	vadd.f32 v50, v4;
	[tilespmem:s14+$0x8360] =	vst v46  }
0x20a: {  	v59 =	vld [tilespmem:s28+$0x8300];
	v49 =	vadd.f32 v44, v40;
	v19 =	vadd.f32 v19, v5;
	[tilespmem:s15+$0x8300] =	vst v16  }
0x20b: {  	v17 =	vld [tilespmem:s15+$0x270];
	v16 =	vadd.f32 v27, v24;
	v55 =	vadd.f32 v39, v36;
	[tilespmem:$0x1FEF0] =	vst v14  }
0x20c: {  	v20 =	vadd.f32 v21, v52;
	[tilespmem:s15+$0x8310] =	vst v49  }
0x20d: {  	[tilespmem:s15+$0x8320] =	vst v16;
	v19 =	vadd.f32 v55, v19  }
0x20e: {  	v53 =	vmul.f32 v18, v13;
	[tilespmem:s15+$0x8330] =	vst v20  }
0x20f: {  	v60 =	vmul.f32 v18, v14;
	v18 =	vmul.f32 v18, v3;
	[tilespmem:s15+$0x8340] =	vst v19  }
0x210: {  	v57 =	vadd.f32 v53, v6;
	v58 =	vadd.f32 v48, v45;
	v62 =	vld [tilespmem:$0x1FF00]  }
0x211: {  	v21 =	vadd.f32 v60, v7;
	v18 =	vadd.f32 v18, v8  }
0x212: {  	v16 =	vadd.f32 v54, v51;
	v17 =	vadd.f32 v17, v56  }
0x213: {  	v61 =	vmul.f32 v41, v1;
	v0 =	vadd.f32 v58, v57  }
0x214: {  	v16 =	vadd.f32 v16, v21;
	v63 =	vadd.f32 v17, v18  }
0x215: {  	[tilespmem:s15+$0x8350] =	vst v0;
	v17 =	vadd.f32 v61, v15;
	v19 =	vadd.f32 v62, v59  }
0x216: {  	[tilespmem:s15+$0x8360] =	vst v16  }
0x217: {  	s0 =	simm.s32 $0x88;
	[tilespmem:s15+$0x8370] =	vst v63;
	v16 =	vadd.f32 v19, v17  }
.LBB2_4:
0x218: {  	v10 =	vld [tilespmem:$0x1FFD0]  }
0x219: {  	v14 =	vld [tilespmem:$0x1FFA0]  }
0x21a: {  	v2 =	vld [tilespmem:$0x1FEF0]  }
0x21b: {  	v15 =	vld [tilespmem:$0x1FFB0]  }
0x21c: {  	v1 =	vld [tilespmem:$0x1FFF0]  }
0x21d: {  	s2 =	sand.u32 $0xF0, s0;
	v3 =	vld [tilespmem:$0x1FF90]  }
0x21e: {  	s29 =	sshll.u32 s0, $0x7;
	v46 =	vld [tilespmem:s2+$0x100]  }
0x21f: {  	s11 =	sor.u32 $0x1, s0;
	v0 =	vld [tilespmem:s29+$0x270]  }
0x220: {  	[tilespmem:s28+$0x8300] =	vst v16;
	s28 =	sshll.u32 s11, $0x7;
	v16 =	vld [tilespmem:$0x1FFC0]  }
0x221: {  	v56 =	vld [tilespmem:s28+$0x200]  }
0x222: {  	v17 =	vld [tilespmem:s28+$0x8310]  }
0x223: {  	s3 =	smov.u32 s0;
	s30 =	sadd.s32 $0x8, s0;
	p0 =	slt.u32 s0, $0xF8;
	v19 =	vld [tilespmem:s28+$0x210]  }
0x224: {  	s12 =	sand.u32 $0x9, s11;
	s2 =	sor.u32 $0x5, s3;
	s0 =	sor.u32 $0x6, s3;
	v22 =	vld [tilespmem:s28+$0x220]  }
0x225: {  	s15 =	sand.u32 $0x8, s3;
	s31 =	sand.u32 $0xD, s2;
	s14 =	sand.u32 $0xE, s0;
	v18 =	vmov s12;
	v25 =	vld [tilespmem:s28+$0x8330]  }
0x226: {  	v23 =	vmov s15;
	v26 =	vld [tilespmem:s28+$0x230];
	v20 =	vmov s31;
	v21 =	vmov s14;
	s31 =	sor.u32 $0x7, s3;
	s14 =	sor.u32 $0x2, s3  }
0x227: {  	v58 =	vld [tilespmem:s28+$0x240];
	v57 =	vmov s31;
	s15 =	sand.u32 $0xA, s14;
	v50 =	vperm.xlane v46, v18;
	v38 =	vperm.xlane v46, v20  }
0x228: {  	v59 =	vld [tilespmem:s28+$0x250];
	v54 =	vmov s15;
	v21 =	vperm.xlane v46, v21;
	v20 =	vperm.xlane v46, v57  }
0x229: {  	v60 =	vld [tilespmem:s28+$0x8360];
	v54 =	vperm.xlane v46, v54;
	v24 =	vmul.f32 v50, v9  }
0x22a: {  	v52 =	vld [tilespmem:s28+$0x260];
	v27 =	vmul.f32 v50, v12;
	v44 =	vmul.f32 v38, v9  }
0x22b: {  	v63 =	vld [tilespmem:s28+$0x270];
	v28 =	vmul.f32 v50, v14;
	v29 =	vmul.f32 v50, v2  }
0x22c: {  	v13 =	vmov v12;
	s11 =	sshll.u32 s14, $0x7;
	v18 =	vld [tilespmem:s28+$0x8320];
	v41 =	vmul.f32 v21, v10;
	v39 =	vmul.f32 v21, v9  }
0x22d: {  	v55 =	vld [tilespmem:s11+$0x8300];
	v37 =	vmul.f32 v21, v13;
	v36 =	vmul.f32 v21, v14  }
0x22e: {  	v47 =	vadd.f32 v19, v17;
	v19 =	vld [tilespmem:s28+$0x8340];
	v35 =	vmul.f32 v21, v15;
	v34 =	vmul.f32 v21, v2  }
0x22f: {  	[tilespmem:$0x1FE30] =	vst v0;
	v0 =	vld [tilespmem:s11+$0x230];
	v25 =	vadd.f32 v26, v25;
	v33 =	vmul.f32 v21, v16;
	v32 =	vmul.f32 v20, v10  }
0x230: {  	v12 =	vld [tilespmem:$0x1FF80];
	v30 =	vmul.f32 v20, v9;
	v26 =	vmul.f32 v20, v14;
	v48 =	vadd.f32 v24, v42  }
0x231: {  	v57 =	vmul.f32 v54, v10;
	v51 =	vadd.f32 v28, v5;
	v49 =	vadd.f32 v22, v18;
	v18 =	vld [tilespmem:s28+$0x8350]  }
0x232: {  	[tilespmem:$0x1FE40] =	vst v56;
	v56 =	vld [tilespmem:s11+$0x200];
	v61 =	vadd.f32 v27, v4;
	v27 =	vmul.f32 v20, v13;
	v24 =	vmul.f32 v20, v15  }
0x233: {  	s14 =	sor.u32 $0x3, s3;
	v28 =	vmul.f32 v50, v16;
	v29 =	vadd.f32 v29, v7;
	v53 =	vadd.f32 v58, v19;
	v19 =	vld [tilespmem:s28+$0x8370]  }
0x234: {  	s12 =	sshll.u32 s14, $0x7;
	v22 =	vmul.f32 v20, v2;
	v62 =	vadd.f32 v25, v61;
	v58 =	vld [tilespmem:s11+$0x210];
	v25 =	vmul.f32 v54, v9  }
0x235: {  	v61 =	vmul.f32 v54, v13;
	v48 =	vadd.f32 v49, v48;
	v49 =	vld [tilespmem:s12+$0x230];
	v51 =	vadd.f32 v53, v51  }
0x236: {  	v17 =	vmul.f32 v21, v12;
	v53 =	vld [tilespmem:s12+$0x8310];
	v21 =	vadd.f32 v59, v18;
	v18 =	vadd.f32 v52, v60  }
0x237: {  	v11 =	vmovc v8;
	v28 =	vadd.f32 v28, v8;
	v31 =	vmul.f32 v20, v12;
	v61 =	vadd.f32 v61, v4;
	v52 =	vld [tilespmem:s11+$0x8310]  }
0x238: {  	[tilespmem:s28+$0x8330] =	vst v62;
	v62 =	vmul.f32 v54, v12;
	v60 =	vld [tilespmem:s11+$0x8320];
	v19 =	vadd.f32 v63, v19;
	v29 =	vadd.f32 v18, v29  }
0x239: {  	v8 =	vmovc v6;
	v63 =	vld [tilespmem:s11+$0x220];
	v18 =	vperm.xlane v46, v23;
	v23 =	vadd.f32 v56, v55;
	v55 =	vadd.f32 v57, v1  }
0x23a: {  	v59 =	vmul.f32 v20, v16;
	v62 =	vadd.f32 v62, v3;
	v20 =	vmovc v9;
	v56 =	vld [tilespmem:s11+$0x8330];
	v57 =	vmul.f32 v50, v15  }
0x23b: {  	v9 =	vmovc v7;
	v7 =	vmovc v5;
	v5 =	vmov v42;
	v19 =	vadd.f32 v19, v28;
	v23 =	vadd.f32 v23, v55;
	v55 =	vld [tilespmem:s11+$0x8340]  }
0x23c: {  	[tilespmem:$0x1FE20] =	vst v59;
	v59 =	vmul.f32 v54, v2;
	v57 =	vadd.f32 v57, v6;
	v6 =	vmovc v4;
	v4 =	vmov v1;
	v1 =	vld [tilespmem:s11+$0x250]  }
0x23d: {  	v52 =	vadd.f32 v58, v52;
	[tilespmem:s28+$0x8370] =	vst v19;
	v58 =	vadd.f32 v25, v42;
	v19 =	vld [tilespmem:s11+$0x240];
	v42 =	vmul.f32 v54, v14  }
0x23e: {  	v60 =	vadd.f32 v63, v60;
	v63 =	vld [tilespmem:s11+$0x8350];
	v57 =	vadd.f32 v21, v57;
	v21 =	vmul.f32 v50, v10  }
0x23f: {  	[tilespmem:s28+$0x8340] =	vst v51;
	v50 =	vmul.f32 v50, v12;
	v62 =	vadd.f32 v52, v62;
	v0 =	vadd.f32 v0, v56;
	v56 =	vld [tilespmem:s11+$0x8360]  }
0x240: {  	v51 =	vadd.f32 v59, v9;
	v42 =	vadd.f32 v42, v7;
	[tilespmem:s28+$0x8350] =	vst v57;
	v57 =	vld [tilespmem:s11+$0x270]  }
0x241: {  	v58 =	vadd.f32 v60, v58;
	v60 =	vmul.f32 v54, v15;
	v50 =	vadd.f32 v50, v3;
	[tilespmem:s11+$0x8310] =	vst v62;
	v62 =	vld [tilespmem:s11+$0x260]  }
0x242: {  	v0 =	vadd.f32 v0, v61;
	v19 =	vadd.f32 v19, v55;
	v55 =	vld [tilespmem:s11+$0x8370]  }
0x243: {  	v59 =	vld [tilespmem:s12+$0x210];
	v60 =	vadd.f32 v60, v8;
	v1 =	vadd.f32 v1, v63  }
0x244: {  	s3 =	sor.u32 $0x4, s3;
	s15 =	sand.u32 $0xB, s14;
	v54 =	vmul.f32 v54, v16;
	[tilespmem:s11+$0x8320] =	vst v58;
	v58 =	vld [tilespmem:s12+$0x200];
	v47 =	vadd.f32 v47, v50  }
0x245: {  	s14 =	sand.u32 $0xC, s3;
	s3 =	sshll.u32 s3, $0x7;
	[tilespmem:s11+$0x8330] =	vst v0;
	v61 =	vadd.f32 v19, v42;
	v19 =	vmov s15;
	v42 =	vld [tilespmem:s12+$0x8300];
	v0 =	vadd.f32 v1, v60  }
0x246: {  	v50 =	vld [tilespmem:s3+$0x200];
	[tilespmem:s28+$0x8310] =	vst v47;
	v19 =	vperm.xlane v46, v19;
	v1 =	vadd.f32 v62, v56  }
0x247: {  	v54 =	vadd.f32 v54, v11;
	v47 =	vld [tilespmem:s3+$0x8310];
	[tilespmem:s11+$0x8350] =	vst v0;
	v0 =	vadd.f32 v57, v55  }
0x248: {  	v56 =	vmul.f32 v19, v10;
	v55 =	vld [tilespmem:s12+$0x8320];
	v1 =	vadd.f32 v1, v51  }
0x249: {  	v51 =	vld [tilespmem:s12+$0x220];
	v0 =	vadd.f32 v0, v54;
	v54 =	vmul.f32 v19, v12  }
0x24a: {  	v42 =	vadd.f32 v58, v42;
	v58 =	vld [tilespmem:s12+$0x8330];
	[tilespmem:s11+$0x8360] =	vst v1;
	v1 =	vadd.f32 v56, v4  }
0x24b: {  	[tilespmem:s11+$0x8370] =	vst v0;
	v0 =	vadd.f32 v59, v53;
	v53 =	vadd.f32 v54, v3;
	v54 =	vld [tilespmem:s12+$0x8340]  }
0x24c: {  	v62 =	vmul.f32 v19, v20;
	v59 =	vld [tilespmem:s12+$0x240]  }
0x24d: {  	v63 =	vmul.f32 v19, v13;
	v1 =	vadd.f32 v42, v1;
	v0 =	vadd.f32 v0, v53;
	v53 =	vld [tilespmem:s12+$0x8350]  }
0x24e: {  	v57 =	vmul.f32 v19, v14;
	v42 =	vadd.f32 v62, v5;
	v51 =	vadd.f32 v51, v55;
	v55 =	vld [tilespmem:s12+$0x250]  }
0x24f: {  	v62 =	vadd.f32 v63, v6;
	v56 =	vadd.f32 v49, v58;
	v49 =	vld [tilespmem:s12+$0x8360]  }
0x250: {  	[tilespmem:s11+$0x8340] =	vst v61;
	v61 =	vmul.f32 v19, v15;
	v57 =	vadd.f32 v57, v7;
	v63 =	vadd.f32 v51, v42;
	v51 =	vld [tilespmem:s12+$0x260]  }
0x251: {  	v42 =	vld [tilespmem:s12+$0x8370];
	v58 =	vadd.f32 v56, v62;
	v59 =	vadd.f32 v59, v54  }
0x252: {  	v60 =	vmul.f32 v19, v16;
	v62 =	vadd.f32 v61, v8;
	[tilespmem:s12+$0x8320] =	vst v63;
	v63 =	vld [tilespmem:s12+$0x270]  }
0x253: {  	[tilespmem:s12+$0x8330] =	vst v58;
	v56 =	vadd.f32 v59, v57;
	v57 =	vadd.f32 v55, v53;
	v58 =	vmov s14;
	v53 =	vld [tilespmem:s3+$0x8300]  }
0x254: {  	v19 =	vmul.f32 v19, v2;
	v46 =	vperm.xlane v46, v58;
	v58 =	vld [tilespmem:s3+$0x230]  }
0x255: {  	v59 =	vadd.f32 v57, v62;
	v62 =	vld [tilespmem:s3+$0x210]  }
0x256: {  	v19 =	vadd.f32 v19, v9;
	[tilespmem:s12+$0x8300] =	vst v1;
	v1 =	vadd.f32 v51, v49;
	v57 =	vld [tilespmem:s3+$0x220]  }
0x257: {  	v45 =	vmul.f32 v38, v10;
	v63 =	vadd.f32 v63, v42;
	v42 =	vld [tilespmem:s3+$0x8320]  }
0x258: {  	v61 =	vadd.f32 v60, v11;
	[tilespmem:s12+$0x8350] =	vst v59;
	v1 =	vadd.f32 v1, v19;
	v19 =	vmul.f32 v46, v10;
	v59 =	vld [tilespmem:s3+$0x240]  }
0x259: {  	[tilespmem:s28+$0x8360] =	vst v29;
	v29 =	vmul.f32 v18, v10;
	v60 =	vmul.f32 v46, v12;
	v10 =	vld [tilespmem:$0x1FE20];
	v49 =	vadd.f32 v50, v53  }
0x25a: {  	[tilespmem:s12+$0x8310] =	vst v0;
	v53 =	vld [tilespmem:s3+$0x8330];
	v0 =	vadd.f32 v63, v61;
	v61 =	vadd.f32 v19, v4  }
0x25b: {  	[tilespmem:s12+$0x8340] =	vst v56;
	v50 =	vld [tilespmem:s3+$0x8340];
	v19 =	vmul.f32 v46, v20;
	v63 =	vadd.f32 v60, v3  }
0x25c: {  	v56 =	vmul.f32 v46, v14;
	[tilespmem:s12+$0x8360] =	vst v1;
	v62 =	vadd.f32 v62, v47;
	v47 =	vld [tilespmem:s3+$0x8350];
	v1 =	vadd.f32 v49, v61  }
0x25d: {  	v19 =	vadd.f32 v19, v5;
	v61 =	vld [tilespmem:s3+$0x250];
	v42 =	vadd.f32 v57, v42  }
0x25e: {  	[tilespmem:s12+$0x8370] =	vst v0;
	v0 =	vadd.f32 v62, v63;
	v63 =	vadd.f32 v56, v7;
	v56 =	vld [tilespmem:s3+$0x260]  }
0x25f: {  	[tilespmem:s28+$0x8320] =	vst v48;
	v48 =	vmul.f32 v46, v13;
	v62 =	vadd.f32 v42, v19;
	v42 =	vld [tilespmem:s3+$0x8360]  }
0x260: {  	s2 =	sshll.u32 s2, $0x7;
	v19 =	vadd.f32 v58, v53;
	v58 =	vadd.f32 v59, v50;
	v59 =	vld [tilespmem:s3+$0x270]  }
0x261: {  	s15 =	sshll.u32 s0, $0x7;
	v60 =	vadd.f32 v48, v6;
	v53 =	vld [tilespmem:s2+$0x8330]  }
0x262: {  	v50 =	vld [tilespmem:s15+$0x210]  }
0x263: {  	v57 =	vadd.f32 v19, v60;
	v19 =	vld [tilespmem:s3+$0x8370]  }
0x264: {  	v54 =	vmul.f32 v46, v2;
	v61 =	vadd.f32 v61, v47;
	v47 =	vld [tilespmem:s2+$0x8300]  }
0x265: {  	v55 =	vmul.f32 v46, v16;
	v46 =	vmul.f32 v46, v15;
	v60 =	vadd.f32 v58, v63;
	v63 =	vld [tilespmem:s2+$0x200]  }
0x266: {  	[tilespmem:s3+$0x8330] =	vst v57;
	v57 =	vld [tilespmem:s2+$0x210]  }
0x267: {  	v46 =	vadd.f32 v46, v8;
	[tilespmem:s3+$0x8340] =	vst v60;
	v60 =	vadd.f32 v55, v11;
	v55 =	vld [tilespmem:s2+$0x230]  }
0x268: {  	[tilespmem:s3+$0x8320] =	vst v62;
	v62 =	vadd.f32 v54, v9;
	v54 =	vadd.f32 v56, v42;
	v56 =	vld [tilespmem:s2+$0x8310]  }
0x269: {  	v51 =	vadd.f32 v61, v46;
	v61 =	vmul.f32 v38, v12;
	v59 =	vadd.f32 v59, v19;
	v19 =	vld [tilespmem:s2+$0x8320]  }
0x26a: {  	v45 =	vadd.f32 v45, v4;
	v58 =	vadd.f32 v54, v62;
	v62 =	vld [tilespmem:s2+$0x220]  }
0x26b: {  	[tilespmem:s3+$0x8300] =	vst v1;
	v63 =	vadd.f32 v63, v47;
	v54 =	vadd.f32 v61, v3;
	v61 =	vld [tilespmem:s2+$0x250]  }
0x26c: {  	[tilespmem:s3+$0x8310] =	vst v0;
	v1 =	vadd.f32 v59, v60;
	v59 =	vld [tilespmem:s2+$0x240]  }
0x26d: {  	[tilespmem:s3+$0x8360] =	vst v58;
	v0 =	vadd.f32 v63, v45;
	v58 =	vmul.f32 v38, v13;
	v45 =	vld [tilespmem:s15+$0x250];
	v42 =	vadd.f32 v57, v56  }
0x26e: {  	v63 =	vadd.f32 v55, v53;
	v56 =	vld [tilespmem:s2+$0x8340];
	v57 =	vadd.f32 v44, v5  }
0x26f: {  	v44 =	vadd.f32 v58, v6;
	v60 =	vadd.f32 v42, v54;
	v42 =	vld [tilespmem:s2+$0x8350]  }
0x270: {  	v19 =	vadd.f32 v62, v19;
	v54 =	vld [tilespmem:s2+$0x260]  }
0x271: {  	v55 =	vadd.f32 v63, v44;
	v63 =	vld [tilespmem:s15+$0x200]  }
0x272: {  	v62 =	vadd.f32 v19, v57;
	v19 =	vld [tilespmem:s2+$0x8360]  }
0x273: {  	v43 =	vmul.f32 v38, v14;
	v57 =	vld [tilespmem:s2+$0x8370]  }
0x274: {  	v56 =	vadd.f32 v59, v56;
	v59 =	vld [tilespmem:s2+$0x270]  }
0x275: {  	v43 =	vadd.f32 v43, v7;
	v53 =	vmul.f32 v38, v15;
	[tilespmem:s2+$0x8330] =	vst v55;
	v55 =	vld [tilespmem:s15+$0x220]  }
0x276: {  	s31 =	sshll.u32 s31, $0x7;
	[tilespmem:s2+$0x8320] =	vst v62;
	v62 =	vld [tilespmem:s15+$0x8300]  }
0x277: {  	v58 =	vadd.f32 v53, v8;
	[tilespmem:s2+$0x8310] =	vst v60;
	v60 =	vadd.f32 v56, v43;
	v43 =	vld [tilespmem:s31+$0x240]  }
0x278: {  	v61 =	vadd.f32 v61, v42;
	v49 =	vadd.f32 v54, v19;
	v19 =	vld [tilespmem:s15+$0x8310]  }
0x279: {  	v54 =	vld [tilespmem:s15+$0x8320]  }
0x27a: {  	v40 =	vmul.f32 v38, v2;
	v48 =	vadd.f32 v61, v58;
	v58 =	vld [tilespmem:s15+$0x8330]  }
0x27b: {  	v38 =	vmul.f32 v38, v16;
	v53 =	vadd.f32 v59, v57;
	v59 =	vld [tilespmem:s15+$0x230]  }
0x27c: {  	v40 =	vadd.f32 v40, v9;
	v57 =	vadd.f32 v63, v62;
	v62 =	vld [tilespmem:s15+$0x240]  }
0x27d: {  	v38 =	vadd.f32 v38, v11;
	[tilespmem:s2+$0x8350] =	vst v48;
	v48 =	vld [tilespmem:s15+$0x8360]  }
0x27e: {  	v41 =	vadd.f32 v41, v4;
	[tilespmem:s3+$0x8350] =	vst v51;
	v51 =	vadd.f32 v49, v40;
	v49 =	vld [tilespmem:s15+$0x260]  }
0x27f: {  	v56 =	vadd.f32 v53, v38;
	v53 =	vld [tilespmem:s15+$0x270]  }
0x280: {  	[tilespmem:s2+$0x8340] =	vst v60;
	v60 =	vadd.f32 v57, v41;
	v41 =	vld [tilespmem:s31+$0x8340]  }
0x281: {  	v61 =	vadd.f32 v50, v19;
	v19 =	vld [tilespmem:s15+$0x8340]  }
0x282: {  	v17 =	vadd.f32 v17, v3;
	[tilespmem:s2+$0x8370] =	vst v56;
	v56 =	vld [tilespmem:s31+$0x200]  }
0x283: {  	v47 =	vadd.f32 v59, v58;
	v59 =	vld [tilespmem:s31+$0x8310]  }
0x284: {  	v63 =	vadd.f32 v61, v17;
	v17 =	vld [tilespmem:s15+$0x8350]  }
0x285: {  	v37 =	vadd.f32 v37, v6;
	[tilespmem:s15+$0x8300] =	vst v60;
	v60 =	vld [tilespmem:s31+$0x210]  }
0x286: {  	v39 =	vadd.f32 v39, v5;
	v58 =	vadd.f32 v49, v48;
	v49 =	vld [tilespmem:s31+$0x260]  }
0x287: {  	v44 =	vadd.f32 v55, v54;
	v50 =	vadd.f32 v47, v37;
	v37 =	vld [tilespmem:s31+$0x230]  }
0x288: {  	[tilespmem:s2+$0x8360] =	vst v51;
	v51 =	vadd.f32 v62, v19;
	v19 =	vld [tilespmem:s15+$0x8370]  }
0x289: {  	v42 =	vmovc v5;
	v5 =	vmovc v7;
	v7 =	vmov v9;
	v46 =	vadd.f32 v44, v39;
	v55 =	vadd.f32 v45, v17;
	v17 =	vld [tilespmem:s31+$0x8300]  }
0x28a: {  	v34 =	vadd.f32 v34, v7;
	[tilespmem:s15+$0x8310] =	vst v63;
	v63 =	vld [tilespmem:s31+$0x220]  }
0x28b: {  	[tilespmem:s15+$0x8320] =	vst v46;
	v46 =	vld [tilespmem:s31+$0x250]  }
0x28c: {  	v36 =	vadd.f32 v36, v5;
	v61 =	vadd.f32 v58, v34;
	v58 =	vld [tilespmem:s29+$0x8310]  }
0x28d: {  	v62 =	vadd.f32 v53, v19;
	v19 =	vld [tilespmem:s31+$0x8320]  }
0x28e: {  	v54 =	vadd.f32 v51, v36;
	v36 =	vadd.f32 v56, v17;
	v17 =	vld [tilespmem:s31+$0x8330]  }
0x28f: {  	v33 =	vadd.f32 v33, v11;
	v52 =	vmul.f32 v18, v2;
	v2 =	vmovc v4;
	v51 =	vadd.f32 v43, v41;
	v41 =	vld [tilespmem:s29+$0x230]  }
0x290: {  	v31 =	vadd.f32 v31, v3;
	v32 =	vadd.f32 v32, v2;
	v4 =	vmovc v6;
	v6 =	vmov v8;
	v43 =	vld [tilespmem:s29+$0x8340]  }
0x291: {  	v27 =	vadd.f32 v27, v4;
	v35 =	vadd.f32 v35, v6;
	[tilespmem:s15+$0x8340] =	vst v54;
	v54 =	vld [tilespmem:s31+$0x270]  }
0x292: {  	v24 =	vadd.f32 v24, v6;
	v45 =	vadd.f32 v63, v19;
	v19 =	vld [tilespmem:s31+$0x8350]  }
0x293: {  	[tilespmem:s11+$0x8300] =	vst v23;
	v23 =	vmul.f32 v18, v14;
	v30 =	vadd.f32 v30, v42;
	v48 =	vadd.f32 v37, v17;
	v17 =	vld [tilespmem:s31+$0x8360]  }
0x294: {  	v26 =	vadd.f32 v26, v5;
	v57 =	vadd.f32 v55, v35;
	v55 =	vld [tilespmem:s29+$0x8300]  }
0x295: {  	v22 =	vadd.f32 v22, v7;
	v23 =	vadd.f32 v23, v5;
	v53 =	vld [tilespmem:s31+$0x8370]  }
0x296: {  	v9 =	vmov v20;
	[tilespmem:s15+$0x8360] =	vst v61;
	v40 =	vadd.f32 v60, v59;
	v20 =	vadd.f32 v62, v33;
	v62 =	vld [tilespmem:s29+$0x8320]  }
0x297: {  	v61 =	vadd.f32 v10, v11;
	[tilespmem:s15+$0x8350] =	vst v57;
	v57 =	vadd.f32 v46, v19;
	v19 =	vld [tilespmem:s29+$0x200]  }
0x298: {  	[tilespmem:s3+$0x8370] =	vst v1;
	v44 =	vadd.f32 v40, v31;
	v40 =	vmul.f32 v18, v9;
	v60 =	vadd.f32 v49, v17;
	v17 =	vld [tilespmem:s29+$0x210]  }
0x299: {  	v28 =	vmul.f32 v18, v12;
	[tilespmem:s2+$0x8300] =	vst v0;
	v35 =	vadd.f32 v29, v2;
	v39 =	vadd.f32 v36, v32;
	v36 =	vld [tilespmem:s29+$0x220]  }
0x29a: {  	[tilespmem:s31+$0x8310] =	vst v44;
	v44 =	vadd.f32 v40, v42;
	v34 =	vadd.f32 v54, v53;
	v54 =	vld [tilespmem:s29+$0x8370]  }
0x29b: {  	[tilespmem:s31+$0x8300] =	vst v39;
	v39 =	vadd.f32 v28, v3;
	v47 =	vadd.f32 v45, v30;
	v37 =	vld [tilespmem:s29+$0x8330]  }
0x29c: {  	[tilespmem:s15+$0x8330] =	vst v50;
	v38 =	vadd.f32 v34, v61;
	v45 =	vld [tilespmem:s29+$0x240];
	v19 =	vadd.f32 v19, v55  }
0x29d: {  	[tilespmem:s15+$0x8370] =	vst v20;
	v61 =	vld [tilespmem:$0x1FE30];
	v50 =	vadd.f32 v48, v27;
	v17 =	vadd.f32 v17, v58  }
0x29e: {  	v25 =	vmul.f32 v18, v13;
	v56 =	vadd.f32 v51, v26;
	[tilespmem:s31+$0x8320] =	vst v47;
	v47 =	vld [tilespmem:s29+$0x250];
	v19 =	vadd.f32 v19, v35  }
0x29f: {  	[tilespmem:s31+$0x8330] =	vst v50;
	v50 =	vld [tilespmem:s29+$0x260];
	v1 =	vadd.f32 v17, v39;
	v17 =	vadd.f32 v36, v62  }
0x2a0: {  	v46 =	vadd.f32 v25, v4;
	v59 =	vadd.f32 v57, v24;
	[tilespmem:s29+$0x8300] =	vst v19;
	v19 =	vld [tilespmem:s29+$0x8350]  }
0x2a1: {  	[tilespmem:s31+$0x8340] =	vst v56;
	v48 =	vadd.f32 v41, v37;
	v0 =	vadd.f32 v17, v44;
	v17 =	vld [tilespmem:s29+$0x8360]  }
0x2a2: {  	[tilespmem:s31+$0x8370] =	vst v38;
	v53 =	vadd.f32 v45, v43;
	v63 =	vadd.f32 v60, v22  }
0x2a3: {  	v56 =	vld [tilespmem:s28+$0x8300];
	v49 =	vmul.f32 v18, v15;
	[tilespmem:s31+$0x8350] =	vst v59;
	v51 =	vadd.f32 v48, v46  }
0x2a4: {  	v18 =	vmul.f32 v18, v16;
	v16 =	vadd.f32 v61, v54;
	v57 =	vadd.f32 v53, v23;
	[tilespmem:s31+$0x8360] =	vst v63;
	v63 =	vld [tilespmem:$0x1FE40]  }
0x2a5: {  	v55 =	vadd.f32 v49, v6;
	[tilespmem:s29+$0x8330] =	vst v51;
	v58 =	vadd.f32 v47, v19  }
0x2a6: {  	[tilespmem:s29+$0x8340] =	vst v57;
	v19 =	vadd.f32 v52, v7;
	v60 =	vadd.f32 v50, v17  }
.Ltmp1:
0x2a7: {  	[tilespmem:s29+$0x8310] =	vst v1;
	v59 =	vadd.f32 v58, v55;
	v17 =	vadd.f32 v18, v11;
	(pc) =	sbr.rel @p0 .LBB2_4-.Ltmp1, $4  }
0x2a8: {  	v21 =	vadd.f32 v21, v2;
	[tilespmem:s29+$0x8320] =	vst v0;
	v62 =	vadd.f32 v60, v19  }
0x2a9: {  	v1 =	vadd.f32 v63, v56;
	[tilespmem:s29+$0x8350] =	vst v59;
	v17 =	vadd.f32 v16, v17  }
0x2aa: {  	[tilespmem:s29+$0x8360] =	vst v62  }
0x2ab: {  	s0 =	smov.u32 s30;
	v12 =	vmov v13;
	v8 =	vmov v11;
	v16 =	vadd.f32 v1, v21;
	[tilespmem:s29+$0x8370] =	vst v17  }
0x2ac: {  	_ = 	snop  }
0x2ad: {  	s26 =	sadd.s32 $0x1, s26;
	[tilespmem:s28+$0x8300] =	vst v16  }
0x2ae: {  	[hbm4b:s9+s4] =	stream.linear.scatter [tilespmem:s18], [sflag:$0x4], $0x4000, $0x38;
	[tilespmem:$0x10300] =	vst v63  }
0x2af: {  	p0 =	sne.s32 s26, s10;
	_ =	swait.ge [sflag:s24], $0x4000  }
.Ltmp2:
0x2b0: {  	[sflag:s24] =	ssyncset.done $0x0;
	(pc) =	sbr.rel @p0 .LBB2_1-.Ltmp2, $4  }
0x2b1: {  	[sflag:s24] =	ssyncadd.s32 $0xFFFFC000  }
0x2b2: {  	_ =	swait.ge [sflag:s25], $0x4000  }
0x2b3: {  	[sflag:s25] =	ssyncset.done $0x0  }
0x2b4: {  	[sflag:s25] =	ssyncadd.s32 $0xFFFFC000  }
0x2b5: {  	_ =	sfence.sel $0x180000  }
0x2b6: {  	[bflag:$0x0] =	sbarrier.arrive $0xFFFF  }
0x2b7: {  	_ =	strace $0x90000047  }
0x2b8: {  	s0 =	stileid.u32;
	[bflag:$0x2] =	sbarrier.arrive $0xFFFF  }
0x2b9: {  	p0 =	sne.s32 s0, $0x0;
	s0 =	rddreg [dreg:$0x5]  }
0x2ba: {  	s0 =	sadd.s32 @!p0 $0x100000, s0  }
0x2bb: {  	[sflag:s0] =	ssyncadd.tile.s32 @!p0 $0x1;
	_ =	shalt  }
.Lfunc_end2:
_tile_overlayer_lowered:
.L_overlay_start_2:
0x2bc: {  	(tag) =	ssettag $0x2  }
0x2bd: {  	s0 =	rddreg [dreg:$0x0];
	s2 =	stileid.u32  }
0x2be: {  	s1 =	rddreg [dreg:$0x1];
	p0 =	sne.s32 s2, $0x0  }
0x2bf: {  	s3 =	rddreg [dreg:$0x2];
	[bflag:$0x3] =	sbarrier.arrive $0xFFFF;
	s2 =	simm.s32 @!p0 $0x1C08  }
0x2c0: {  	[timem:s3], [sflag:s2] =	dma.local @!p0 [hbm:s0], s1  }
0x2c1: {  	s0 =	simm.s32 @!p0 $0x8  }
0x2c2: {  	_ =	swait.ge @!p0 [sflag:s0], s1  }
0x2c3: {  	s1 =	ssub.s32 @!p0 $0x0, s1;
	[sflag:s0] =	ssyncset.done @!p0 $0x0  }
0x2c4: {  	[sflag:s0] =	ssyncadd.s32 @!p0 s1  }
0x2c5: {  	[bflag:$0x3] =	sbarrier.arrive $0xFFFF  }
0x2c6: {  	_ =	shalt  }

</sc_bundles>
